<compile_context>
chip_gen: v7x
topology: tpu7x:2x2x1
jax: 0.10.2.dev20260603
libtpu: 0.0.44.dev20260713+nightly
codegen_flags: <defaults>
</compile_context>

<pallas_src>
import functools

import jax
import jax.numpy as jnp
from jax import lax
from jax.experimental import pallas as pl
from jax.experimental.pallas import tpu as pltpu
from jax.experimental.pallas import tpu_sc as plsc

N = 10000
M = 256
K = 16
OUT = 512

NC, NS = 2, 16
NW = NC * NS
DV = M // 16


C3 = 8

FAST_CORE = 0
MP = 128
GP = 8
TCN = 4000
TROWS = 200
FW, SW = 304, 80
FAST_TOT = NS * FW
N_PAD_SC = NS * (FW + SW)
N_PAD = TCN + N_PAD_SC


NBUF = 2


def _sc_body(x_hbm, idxf_hbm, h_hbm,
             idx_all, buf0, buf1, out_v,
             gsem0, gsem1, wsem):
    c = lax.axis_index("c")
    s = lax.axis_index("s")
    is_fast = c == FAST_CORE
    base = jnp.where(is_fast, s * FW, FAST_TOT + s * SW)
    nchunk = jnp.where(is_fast, FW // C3, SW // C3)
    nrounds = nchunk // NBUF
    bufs = (buf0, buf1)
    gsems = (gsem0, gsem1)

    @pl.when(is_fast)
    def _():
        pltpu.sync_copy(idxf_hbm.at[pl.ds(base * K, FW * K)], idx_all)

    @pl.when(jnp.logical_not(is_fast))
    def _():
        pltpu.sync_copy(idxf_hbm.at[pl.ds(base * K, SW * K)],
                        idx_all.at[pl.ds(0, SW * K)])

    def gdesc(chunk, b):
        return pltpu.make_async_copy(
            x_hbm.at[idx_all.at[pl.ds(chunk * (C3 * K), C3 * K)]],
            bufs[b], gsems[b])

    for bb in range(NBUF):
        gdesc(bb, bb).start()

    @pl.loop(0, nrounds)
    def _round(g):
        @pl.when(g > 0)
        def _():
            pltpu.make_async_copy(out_v, h_hbm.at[pl.ds(0, NBUF * C3)],
                                  wsem).wait()
        for b in range(NBUF):
            chunk = NBUF * g + b
            buf = bufs[b]
            gdesc(chunk, b).wait()

            @plsc.parallel_loop(0, C3 * DV)
            def _red(i):
                cc = i // DV
                sl = pl.ds((i % DV) * 16, 16)
                rb = cc * K
                vals = [buf[rb + k, sl] for k in range(K)]
                while len(vals) > 1:
                    vals = [vals[j] + vals[j + 1]
                            for j in range(0, len(vals) - 1, 2)] + (
                                [vals[-1]] if len(vals) % 2 else [])
                out_v[b * C3 + cc, sl] = vals[0]

            @pl.when(chunk + NBUF < nchunk)
            def _():
                gdesc(chunk + NBUF, b).start()

        pltpu.async_copy(
            out_v, h_hbm.at[pl.ds(base + g * (NBUF * C3), NBUF * C3)], wsem)

    pltpu.make_async_copy(out_v, h_hbm.at[pl.ds(0, NBUF * C3)], wsem).wait()


def _neighbor_sum(x, idxf_pad):
    kfn = pl.kernel(
        _sc_body,
        out_type=jax.ShapeDtypeStruct((N_PAD_SC, M), jnp.float32),
        mesh=plsc.VectorSubcoreMesh(core_axis_name="c", subcore_axis_name="s"),
        scratch_types=[
            pltpu.VMEM((FW * K,), jnp.int32),
            pltpu.VMEM((C3 * K, M), jnp.float32),
            pltpu.VMEM((C3 * K, M), jnp.float32),
            pltpu.VMEM((NBUF * C3, M), jnp.float32),
            pltpu.SemaphoreType.DMA,
            pltpu.SemaphoreType.DMA,
            pltpu.SemaphoreType.DMA,
        ],
    )
    return kfn(x, idxf_pad)


ROWS = 1000
GRID = N // ROWS


def _tc_gather_body(idx_ref, x_ref, o_ref):
    def body(n, carry):
        acc = x_ref[pl.ds(idx_ref[n, 0], 1), :]
        for k in range(1, K):
            acc = acc + x_ref[pl.ds(idx_ref[n, k], 1), :]
        o_ref[pl.ds(n, 1), :] = acc
        return carry

    lax.fori_loop(0, TROWS, body, 0)


def _tc_gather(x, idx_tc):
    return pl.pallas_call(
        _tc_gather_body,
        grid=(TCN // TROWS,),
        in_specs=[
            pl.BlockSpec((TROWS, K), lambda i: (i, 0),
                         memory_space=pltpu.SMEM),
            pl.BlockSpec((N, M), lambda i: (0, 0)),
        ],
        out_specs=pl.BlockSpec((TROWS, M), lambda i: (i, 0)),
        out_shape=jax.ShapeDtypeStruct((TCN, M), jnp.float32),
    )(idx_tc, x)


TCB = TCN // 1000


def _tc_matmul_body(x_ref, tc_ref, sc_ref, wt_ref, b_ref,
                    y_ref, s_ref, s2_ref, h_scr):
    i = pl.program_id(0)

    @pl.when(i < TCB)
    def _():
        h_scr[...] = x_ref[...] + tc_ref[...]

    @pl.when(i >= TCB)
    def _():
        h_scr[...] = x_ref[...] + sc_ref[...]

    h = h_scr[...]
    y = jnp.dot(h, wt_ref[...], preferred_element_type=jnp.float32) + b_ref[...]
    y_ref[...] = y
    s = jnp.sum(y, axis=0, keepdims=True)
    s2 = jnp.sum(y * y, axis=0, keepdims=True)

    @pl.when(i == 0)
    def _():
        s_ref[...] = s
        s2_ref[...] = s2

    @pl.when(i > 0)
    def _():
        s_ref[...] += s
        s2_ref[...] += s2


def _tc_bn_body(y_ref, s_ref, s2_ref, g_ref, beta_ref, o_ref):
    mean = s_ref[...] * (1.0 / N)
    var = s2_ref[...] * (1.0 / N) - mean * mean
    scale = g_ref[...] * lax.rsqrt(var + 1e-5)
    shift = beta_ref[...] - mean * scale
    o_ref[...] = jnp.maximum(y_ref[...] * scale + shift, 0.0)


def kernel(nodes_features, nodes_neighbors_indexes, W, b, gamma, beta):
    x = nodes_features
    idxf_pad = jnp.pad(nodes_neighbors_indexes.reshape(-1),
                       (0, (N_PAD - N) * K))
    hnb_sc = _neighbor_sum(x, idxf_pad[TCN * K:])
    hnb_tc = _tc_gather(x, nodes_neighbors_indexes[:TCN])

    wt = W.T
    b2 = b.reshape(1, OUT)
    g2 = gamma.reshape(1, OUT)
    beta2 = beta.reshape(1, OUT)

    y, s, s2 = pl.pallas_call(
        _tc_matmul_body,
        grid=(GRID,),
        in_specs=[
            pl.BlockSpec((ROWS, M), lambda i: (i, 0)),
            pl.BlockSpec((ROWS, M), lambda i: (jnp.minimum(i, TCB - 1), 0)),
            pl.BlockSpec((ROWS, M), lambda i: (jnp.maximum(i - TCB, 0), 0)),
            pl.BlockSpec((M, OUT), lambda i: (0, 0)),
            pl.BlockSpec((1, OUT), lambda i: (0, 0)),
        ],
        scratch_shapes=[pltpu.VMEM((ROWS, M), jnp.float32)],
        out_specs=[
            pl.BlockSpec((ROWS, OUT), lambda i: (i, 0)),
            pl.BlockSpec((1, OUT), lambda i: (0, 0)),
            pl.BlockSpec((1, OUT), lambda i: (0, 0)),
        ],
        out_shape=[
            jax.ShapeDtypeStruct((N, OUT), jnp.float32),
            jax.ShapeDtypeStruct((1, OUT), jnp.float32),
            jax.ShapeDtypeStruct((1, OUT), jnp.float32),
        ],
    )(x, hnb_tc, hnb_sc, wt, b2)

    out = pl.pallas_call(
        _tc_bn_body,
        grid=(GRID,),
        in_specs=[
            pl.BlockSpec((ROWS, OUT), lambda i: (i, 0)),
            pl.BlockSpec((1, OUT), lambda i: (0, 0)),
            pl.BlockSpec((1, OUT), lambda i: (0, 0)),
            pl.BlockSpec((1, OUT), lambda i: (0, 0)),
            pl.BlockSpec((1, OUT), lambda i: (0, 0)),
        ],
        out_specs=pl.BlockSpec((ROWS, OUT), lambda i: (i, 0)),
        out_shape=jax.ShapeDtypeStruct((N, OUT), jnp.float32),
    )(y, s, s2, g2, beta2)

    return (out, nodes_neighbors_indexes)

# --- scband reference (transcript-rebuilt; emitter-appended) ---
"""Pipeline reference for scband-graph-conv-layer-13761075216392 (READ-ONLY COPY).

The authoritative reference and input builder live on the scoring server;
editing this copy changes nothing except your own understanding.
"""

import jax, jax.numpy as jnp
import numpy as np

N, M, K, OUT = 10000, 256, 16, 512

def setup_inputs(seed: int = 0) -> dict:
    key = jax.random.key(seed)
    k1, k2, k3, k4 = jax.random.split(key, 4)
    nodes_features = jax.random.normal(k1, (N, M), dtype=jnp.float32)
    nodes_neighbors_indexes = jax.random.randint(k2, (N, K), 0, N, dtype=jnp.int32)
    W = jax.random.normal(k3, (OUT, M), dtype=jnp.float32) * (1.0 / np.sqrt(M))
    b = jax.random.normal(k4, (OUT,), dtype=jnp.float32) * 0.01
    gamma = jnp.ones((OUT,), dtype=jnp.float32)
    beta = jnp.zeros((OUT,), dtype=jnp.float32)
    return {"nodes_features": nodes_features, "nodes_neighbors_indexes": nodes_neighbors_indexes, "W": W, "b": b, "gamma": gamma, "beta": beta}

def reference(nodes_features, nodes_neighbors_indexes, W, b, gamma, beta):
    n, m = nodes_features.shape
    # prepend a zero row so that index 0 (after +1 shift) acts as padding
    temp = jnp.concatenate([jnp.zeros((1, m), dtype=nodes_features.dtype), nodes_features], axis=0)
    indexes = nodes_neighbors_indexes + 1
    gathered = jnp.take(temp, indexes.reshape(-1), axis=0)
    neighbors_features = gathered.reshape(indexes.shape[0], indexes.shape[1], -1)
    h = nodes_features + neighbors_features.sum(axis=1)
    # linear
    y = h @ W.T + b
    # BatchNorm1d in training mode: batch statistics, biased variance, eps=1e-5
    mean = jnp.mean(y, axis=0)
    var = jnp.mean((y - mean) ** 2, axis=0)
    y_hat = (y - mean) / jnp.sqrt(var + 1e-5)
    y_bn = gamma * y_hat + beta
    nodes_new_features = jax.nn.relu(y_bn)
    return (nodes_new_features, nodes_neighbors_indexes)

if __name__ == "__main__":
    import jax
    _d = setup_inputs()
    print(jax.jit(kernel)(*tuple(_d.values())))

</pallas_src>

<mosaic_0001>
#map = affine_map<(d0, d1) -> (0, 0)>
#map1 = affine_map<(d0, d1) -> (0)>
module attributes {stable_mosaic.version = 14 : i64} {
  func.func @_sc_body(%arg0: i32, %arg1: i32, %arg2: memref<10000x256xf32, #tpu.memory_space<hbm>>, %arg3: memref<98304xi32, #tpu.memory_space<hbm>>, %arg4: memref<6144x256xf32, #tpu.memory_space<hbm>>, %arg5: memref<4864xi32, #tpu.memory_space<vmem>>, %arg6: memref<128x256xf32, #tpu.memory_space<vmem>>, %arg7: memref<128x256xf32, #tpu.memory_space<vmem>>, %arg8: memref<16x256xf32, #tpu.memory_space<vmem>>, %arg9: memref<!tpu.dma_semaphore, #tpu.memory_space<semaphore_mem>>, %arg10: memref<!tpu.dma_semaphore, #tpu.memory_space<semaphore_mem>>, %arg11: memref<!tpu.dma_semaphore, #tpu.memory_space<semaphore_mem>>) attributes {dimension_semantics = [#tpu.dimension_semantics<core_parallel>, #tpu.dimension_semantics<subcore_parallel>], iteration_bounds = array<i64: 2, 16>, scalar_prefetch = 0 : i64, scratch_operands = 7 : i64, tpu.core_type = #tpu.core_type<sc_vector_subcore>, window_params = [{transform_indices = #map}, {transform_indices = #map1}, {transform_indices = #map}]} {
    %eq3A = arith.constant 0 : i32
    %eq3A_0 = arith.cmpi eq, %arg0, %eq3A : i32
    %mul3A = arith.constant 304 : i32
    %mul3A_1 = arith.muli %arg1, %mul3A : i32
    %mul3A_2 = arith.constant 80 : i32
    %mul3A_3 = arith.muli %arg1, %mul3A_2 : i32
    %add3A = arith.constant 4864 : i32
    %add3A_4 = arith.addi %add3A, %mul3A_3 : i32
    %select_n3A = arith.select %eq3A_0, %mul3A_1, %add3A_4 : i32
    %jit3A = arith.constant 38 : i32
    %jit3A_5 = arith.constant 10 : i32
    %select_n3A_6 = arith.select %eq3A_0, %jit3A, %jit3A_5 : i32
    %jit3A_7 = arith.constant 2 : i32
    %div3A = arith.divsi %select_n3A_6, %jit3A_7 : i32
    %sign3A = arith.constant 0 : i32
    %sign3A_8 = arith.cmpi sgt, %select_n3A_6, %sign3A : i32
    %sign3A_9 = arith.extui %sign3A_8 : i1 to i32
    %sign3A_10 = arith.constant 0 : i32
    %sign3A_11 = arith.cmpi slt, %select_n3A_6, %sign3A_10 : i32
    %sign3A_12 = arith.extui %sign3A_11 : i1 to i32
    %sign3A_13 = arith.subi %sign3A_9, %sign3A_12 : i32
    %sign3A_14 = arith.constant 0 : i32
    %sign3A_15 = arith.cmpi sgt, %jit3A_7, %sign3A_14 : i32
    %sign3A_16 = arith.extui %sign3A_15 : i1 to i32
    %sign3A_17 = arith.constant 0 : i32
    %sign3A_18 = arith.cmpi slt, %jit3A_7, %sign3A_17 : i32
    %sign3A_19 = arith.extui %sign3A_18 : i1 to i32
    %sign3A_20 = arith.subi %sign3A_16, %sign3A_19 : i32
    %ne3A = arith.cmpi ne, %sign3A_13, %sign3A_20 : i32
    %rem3A = arith.remsi %select_n3A_6, %jit3A_7 : i32
    %ne3A_21 = arith.constant 0 : i32
    %ne3A_22 = arith.cmpi ne, %rem3A, %ne3A_21 : i32
    %and3A = arith.andi %ne3A, %ne3A_22 : i1
    %sub3A = arith.constant 1 : i32
    %sub3A_23 = arith.subi %div3A, %sub3A : i32
    %select_n3A_24 = arith.select %and3A, %sub3A_23, %div3A : i32
    %convert_element_type3A = arith.extui %eq3A_0 : i1 to i32
    %cond3A = arith.constant 0 : i32
    %cond3A_25 = arith.cmpi ne, %convert_element_type3A, %cond3A : i32
    scf.if %cond3A_25 {
      %mul3A_62 = arith.constant 16 : i32
      %mul3A_63 = arith.muli %select_n3A, %mul3A_62 : i32
      "tpu.region"() ({
        %run_scoped3A = tpu.sem_alloc : memref<!tpu.dma_semaphore, #tpu.memory_space<semaphore_mem>>
        %dma_start3A_64 = tpu.memref_slice %arg3[%mul3A_63] : memref<98304xi32, #tpu.memory_space<hbm>> -> memref<4864xi32, #tpu.memory_space<hbm>>
        %dma_start3A_65 = tpu.memref_slice %arg3[%mul3A_63] : memref<98304xi32, #tpu.memory_space<hbm>> -> memref<4864xi32, #tpu.memory_space<hbm>>
        tpu.enqueue_dma source(%dma_start3A_65 : memref<4864xi32, #tpu.memory_space<hbm>>) target(%arg5 : memref<4864xi32, #tpu.memory_space<vmem>>) target_semaphore(%run_scoped3A : memref<!tpu.dma_semaphore, #tpu.memory_space<semaphore_mem>>)
        %dma_wait3A_66 = tpu.memref_slice %arg3[%mul3A_63] : memref<98304xi32, #tpu.memory_space<hbm>> -> memref<4864xi32, #tpu.memory_space<hbm>>
        %dma_wait3A_67 = tpu.memref_slice %arg3[%mul3A_63] : memref<98304xi32, #tpu.memory_space<hbm>> -> memref<4864xi32, #tpu.memory_space<hbm>>
        tpu.wait_dma2 semaphore(%run_scoped3A : memref<!tpu.dma_semaphore, #tpu.memory_space<semaphore_mem>>) src(%dma_wait3A_67 : memref<4864xi32, #tpu.memory_space<hbm>>) dst(%arg5 : memref<4864xi32, #tpu.memory_space<vmem>>)
        tpu.yield
      }) : () -> ()
    } else {
    }
    %not3A = arith.constant true
    %not3A_26 = arith.xori %eq3A_0, %not3A : i1
    %convert_element_type3A_27 = arith.extui %not3A_26 : i1 to i32
    %cond3A_28 = arith.constant 0 : i32
    %cond3A_29 = arith.cmpi ne, %convert_element_type3A_27, %cond3A_28 : i32
    scf.if %cond3A_29 {
      %mul3A_62 = arith.constant 16 : i32
      %mul3A_63 = arith.muli %select_n3A, %mul3A_62 : i32
      "tpu.region"() ({
        %run_scoped3A = tpu.sem_alloc : memref<!tpu.dma_semaphore, #tpu.memory_space<semaphore_mem>>
        %dma_start3A_64 = arith.constant 0 : i32
        %dma_start3A_65 = tpu.memref_slice %arg5[%dma_start3A_64] : memref<4864xi32, #tpu.memory_space<vmem>> -> memref<1280xi32, #tpu.memory_space<vmem>>
        %dma_start3A_66 = tpu.memref_slice %arg3[%mul3A_63] : memref<98304xi32, #tpu.memory_space<hbm>> -> memref<1280xi32, #tpu.memory_space<hbm>>
        %dma_start3A_67 = arith.constant 0 : i32
        %dma_start3A_68 = tpu.memref_slice %arg5[%dma_start3A_67] : memref<4864xi32, #tpu.memory_space<vmem>> -> memref<1280xi32, #tpu.memory_space<vmem>>
        %dma_start3A_69 = tpu.memref_slice %arg3[%mul3A_63] : memref<98304xi32, #tpu.memory_space<hbm>> -> memref<1280xi32, #tpu.memory_space<hbm>>
        tpu.enqueue_dma source(%dma_start3A_69 : memref<1280xi32, #tpu.memory_space<hbm>>) target(%dma_start3A_68 : memref<1280xi32, #tpu.memory_space<vmem>>) target_semaphore(%run_scoped3A : memref<!tpu.dma_semaphore, #tpu.memory_space<semaphore_mem>>)
        %dma_wait3A_70 = arith.constant 0 : i32
        %dma_wait3A_71 = tpu.memref_slice %arg5[%dma_wait3A_70] : memref<4864xi32, #tpu.memory_space<vmem>> -> memref<1280xi32, #tpu.memory_space<vmem>>
        %dma_wait3A_72 = tpu.memref_slice %arg3[%mul3A_63] : memref<98304xi32, #tpu.memory_space<hbm>> -> memref<1280xi32, #tpu.memory_space<hbm>>
        %dma_wait3A_73 = arith.constant 0 : i32
        %dma_wait3A_74 = tpu.memref_slice %arg5[%dma_wait3A_73] : memref<4864xi32, #tpu.memory_space<vmem>> -> memref<1280xi32, #tpu.memory_space<vmem>>
        %dma_wait3A_75 = tpu.memref_slice %arg3[%mul3A_63] : memref<98304xi32, #tpu.memory_space<hbm>> -> memref<1280xi32, #tpu.memory_space<hbm>>
        tpu.wait_dma2 semaphore(%run_scoped3A : memref<!tpu.dma_semaphore, #tpu.memory_space<semaphore_mem>>) src(%dma_wait3A_75 : memref<1280xi32, #tpu.memory_space<hbm>>) dst(%dma_wait3A_74 : memref<1280xi32, #tpu.memory_space<vmem>>)
        tpu.yield
      }) : () -> ()
    } else {
    }
    %dma_start3A = arith.constant 0 : i32
    %dma_start3A_30 = tpu.memref_slice %arg5[%dma_start3A] : memref<4864xi32, #tpu.memory_space<vmem>> -> memref<128xi32, #tpu.memory_space<vmem>>
    %dma_start3A_31 = arith.constant 0 : i32
    %dma_start3A_32 = arith.constant 0 : i32
    %dma_start3A_33 = tpu.memref_slice %arg2[%dma_start3A_31, %dma_start3A_32] : memref<10000x256xf32, #tpu.memory_space<hbm>> -> memref<10000x256xf32, #tpu.memory_space<hbm>>
    tpu.enqueue_indirect_dma source(%dma_start3A_33 : memref<10000x256xf32, #tpu.memory_space<hbm>>) target(%arg6 : memref<128x256xf32, #tpu.memory_space<vmem>>) offsets(%dma_start3A_30 : memref<128xi32, #tpu.memory_space<vmem>>) semaphore(%arg9 : memref<!tpu.dma_semaphore, #tpu.memory_space<semaphore_mem>>)
    %dma_start3A_34 = arith.constant 128 : i32
    %dma_start3A_35 = tpu.memref_slice %arg5[%dma_start3A_34] : memref<4864xi32, #tpu.memory_space<vmem>> -> memref<128xi32, #tpu.memory_space<vmem>>
    %dma_start3A_36 = arith.constant 0 : i32
    %dma_start3A_37 = arith.constant 0 : i32
    %dma_start3A_38 = tpu.memref_slice %arg2[%dma_start3A_36, %dma_start3A_37] : memref<10000x256xf32, #tpu.memory_space<hbm>> -> memref<10000x256xf32, #tpu.memory_space<hbm>>
    tpu.enqueue_indirect_dma source(%dma_start3A_38 : memref<10000x256xf32, #tpu.memory_space<hbm>>) target(%arg7 : memref<128x256xf32, #tpu.memory_space<vmem>>) offsets(%dma_start3A_35 : memref<128xi32, #tpu.memory_space<vmem>>) semaphore(%arg10 : memref<!tpu.dma_semaphore, #tpu.memory_space<semaphore_mem>>)
    %sub3A_39 = arith.constant 0 : i32
    %sub3A_40 = arith.subi %select_n3A_24, %sub3A_39 : i32
    %sub3A_41 = arith.constant 1 : i32
    %sub3A_42 = arith.constant 1 : i32
    %sub3A_43 = arith.subi %sub3A_41, %sub3A_42 : i32
    %add3A_44 = arith.addi %sub3A_40, %sub3A_43 : i32
    %div3A_45 = arith.constant 1 : i32
    %div3A_46 = arith.divsi %add3A_44, %div3A_45 : i32
    %while3A = arith.constant 1 : i32
    %while3A_47 = arith.constant 0 : i32
    %while3A_48 = arith.constant 0 : i32
    %while3A_49 = arith.subi %div3A_46, %while3A_48 : i32
    %while3A_50 = arith.addi %while3A_48, %while3A_49 : i32
    %while3A_51 = arith.constant 1 : i32
    %while3A_52 = arith.divsi %while3A_49, %while3A_51 : i32
    %while3A_53 = arith.muli %while3A_52, %while3A_51 : i32
    %while3A_54 = arith.addi %while3A_48, %while3A_53 : i32
    %while3A_55 = arith.constant 1 : i32
    scf.for %while3A_62 = %while3A_48 to %while3A_54 step %while3A_55  : i32 {
      %mul3A_63 = arith.muli %while3A_62, %while3A : i32
      %add3A_64 = arith.addi %while3A_47, %mul3A_63 : i32
      %gt3A = arith.constant 0 : i32
      %gt3A_65 = arith.cmpi sgt, %add3A_64, %gt3A : i32
      %convert_element_type3A_66 = arith.extui %gt3A_65 : i1 to i32
      %cond3A_67 = arith.constant 0 : i32
      %cond3A_68 = arith.cmpi ne, %convert_element_type3A_66, %cond3A_67 : i32
      scf.if %cond3A_68 {
        %dma_wait3A_112 = arith.constant 0 : i32
        %dma_wait3A_113 = arith.constant 0 : i32
        %dma_wait3A_114 = tpu.memref_slice %arg4[%dma_wait3A_112, %dma_wait3A_113] : memref<6144x256xf32, #tpu.memory_space<hbm>> -> memref<16x256xf32, #tpu.memory_space<hbm>>
        %dma_wait3A_115 = arith.constant 0 : i32
        %dma_wait3A_116 = arith.constant 0 : i32
        %dma_wait3A_117 = tpu.memref_slice %arg4[%dma_wait3A_115, %dma_wait3A_116] : memref<6144x256xf32, #tpu.memory_space<hbm>> -> memref<16x256xf32, #tpu.memory_space<hbm>>
        tpu.wait_dma2 semaphore(%arg11 : memref<!tpu.dma_semaphore, #tpu.memory_space<semaphore_mem>>) src(%arg8 : memref<16x256xf32, #tpu.memory_space<vmem>>) dst(%dma_wait3A_117 : memref<16x256xf32, #tpu.memory_space<hbm>>)
      } else {
      }
      %mul3A_69 = arith.constant 2 : i32
      %mul3A_70 = arith.muli %mul3A_69, %add3A_64 : i32
      %add3A_71 = arith.constant 0 : i32
      %add3A_72 = arith.addi %mul3A_70, %add3A_71 : i32
      %mul3A_73 = arith.constant 128 : i32
      %mul3A_74 = arith.muli %add3A_72, %mul3A_73 : i32
      %dma_wait3A_75 = tpu.memref_slice %arg5[%mul3A_74] : memref<4864xi32, #tpu.memory_space<vmem>> -> memref<128xi32, #tpu.memory_space<vmem>>
      %dma_wait3A_76 = arith.constant 0 : i32
      %dma_wait3A_77 = arith.constant 0 : i32
      %dma_wait3A_78 = tpu.memref_slice %arg2[%dma_wait3A_76, %dma_wait3A_77] : memref<10000x256xf32, #tpu.memory_space<hbm>> -> memref<10000x256xf32, #tpu.memory_space<hbm>>
      tpu.wait_indirect_dma semaphore(%arg9 : memref<!tpu.dma_semaphore, #tpu.memory_space<semaphore_mem>>) src(%dma_wait3A_78 : memref<10000x256xf32, #tpu.memory_space<hbm>>) dst(%arg6 : memref<128x256xf32, #tpu.memory_space<vmem>>)
      %parallel_loop3A = arith.constant 0 : i32
      %parallel_loop3A_79 = arith.constant 128 : i32
      %parallel_loop3A_80 = arith.constant 1 : i32
      scf.for %parallel_loop3A_112 = %parallel_loop3A to %parallel_loop3A_79 step %parallel_loop3A_80  : i32 {
        %parallel_loop3A_113 = arith.constant 16 : i32
        %parallel_loop3A_114 = arith.divsi %parallel_loop3A_112, %parallel_loop3A_113 : i32
        %parallel_loop3A_115 = arith.constant 0 : i32
        %parallel_loop3A_116 = arith.cmpi sgt, %parallel_loop3A_112, %parallel_loop3A_115 : i32
        %parallel_loop3A_117 = arith.extui %parallel_loop3A_116 : i1 to i32
        %parallel_loop3A_118 = arith.constant 0 : i32
        %parallel_loop3A_119 = arith.cmpi slt, %parallel_loop3A_112, %parallel_loop3A_118 : i32
        %parallel_loop3A_120 = arith.extui %parallel_loop3A_119 : i1 to i32
        %parallel_loop3A_121 = arith.subi %parallel_loop3A_117, %parallel_loop3A_120 : i32
        %parallel_loop3A_122 = arith.constant 0 : i32
        %parallel_loop3A_123 = arith.cmpi sgt, %parallel_loop3A_113, %parallel_loop3A_122 : i32
        %parallel_loop3A_124 = arith.extui %parallel_loop3A_123 : i1 to i32
        %parallel_loop3A_125 = arith.constant 0 : i32
        %parallel_loop3A_126 = arith.cmpi slt, %parallel_loop3A_113, %parallel_loop3A_125 : i32
        %parallel_loop3A_127 = arith.extui %parallel_loop3A_126 : i1 to i32
        %parallel_loop3A_128 = arith.subi %parallel_loop3A_124, %parallel_loop3A_127 : i32
        %parallel_loop3A_129 = arith.cmpi ne, %parallel_loop3A_121, %parallel_loop3A_128 : i32
        %parallel_loop3A_130 = arith.remsi %parallel_loop3A_112, %parallel_loop3A_113 : i32
        %parallel_loop3A_131 = arith.constant 0 : i32
        %parallel_loop3A_132 = arith.cmpi ne, %parallel_loop3A_130, %parallel_loop3A_131 : i32
        %parallel_loop3A_133 = arith.andi %parallel_loop3A_129, %parallel_loop3A_132 : i1
        %parallel_loop3A_134 = arith.constant 1 : i32
        %parallel_loop3A_135 = arith.subi %parallel_loop3A_114, %parallel_loop3A_134 : i32
        %parallel_loop3A_136 = arith.select %parallel_loop3A_133, %parallel_loop3A_135, %parallel_loop3A_114 : i32
        %parallel_loop3A_137 = arith.constant 16 : i32
        %parallel_loop3A_138 = arith.constant 0 : i32
        %parallel_loop3A_139 = arith.cmpi eq, %parallel_loop3A_137, %parallel_loop3A_138 : i32
        %parallel_loop3A_140 = arith.constant 1 : i32
        %parallel_loop3A_141 = arith.select %parallel_loop3A_139, %parallel_loop3A_140, %parallel_loop3A_137 : i32
        %parallel_loop3A_142 = arith.remsi %parallel_loop3A_112, %parallel_loop3A_141 : i32
        %parallel_loop3A_143 = arith.constant 0 : i32
        %parallel_loop3A_144 = arith.cmpi ne, %parallel_loop3A_142, %parallel_loop3A_143 : i32
        %parallel_loop3A_145 = arith.constant 0 : i32
        %parallel_loop3A_146 = arith.cmpi slt, %parallel_loop3A_142, %parallel_loop3A_145 : i32
        %parallel_loop3A_147 = arith.constant 0 : i32
        %parallel_loop3A_148 = arith.cmpi slt, %parallel_loop3A_141, %parallel_loop3A_147 : i32
        %parallel_loop3A_149 = arith.xori %parallel_loop3A_146, %parallel_loop3A_148 : i1
        %parallel_loop3A_150 = arith.andi %parallel_loop3A_149, %parallel_loop3A_144 : i1
        %parallel_loop3A_151 = arith.addi %parallel_loop3A_142, %parallel_loop3A_141 : i32
        %parallel_loop3A_152 = arith.select %parallel_loop3A_150, %parallel_loop3A_151, %parallel_loop3A_142 : i32
        %parallel_loop3A_153 = arith.constant 16 : i32
        %parallel_loop3A_154 = arith.muli %parallel_loop3A_152, %parallel_loop3A_153 : i32
        %parallel_loop3A_155 = arith.constant 16 : i32
        %parallel_loop3A_156 = arith.muli %parallel_loop3A_136, %parallel_loop3A_155 : i32
        %parallel_loop3A_157 = arith.constant 0 : i32
        %parallel_loop3A_158 = arith.addi %parallel_loop3A_156, %parallel_loop3A_157 : i32
        %parallel_loop3A_159 = arith.index_cast %parallel_loop3A_158 : i32 to index
        %parallel_loop3A_160 = arith.index_cast %parallel_loop3A_154 : i32 to index
        %parallel_loop3A_161 = tpu.vector_load %arg6[%parallel_loop3A_159, %parallel_loop3A_160] {strides = array<i32>} : memref<128x256xf32, #tpu.memory_space<vmem>>, vector<1x16xf32>,
        %parallel_loop3A_162 = vector.shape_cast %parallel_loop3A_161 : vector<1x16xf32> to vector<16xf32>
        %parallel_loop3A_163 = arith.constant 1 : i32
        %parallel_loop3A_164 = arith.addi %parallel_loop3A_156, %parallel_loop3A_163 : i32
        %parallel_loop3A_165 = arith.index_cast %parallel_loop3A_164 : i32 to index
        %parallel_loop3A_166 = arith.index_cast %parallel_loop3A_154 : i32 to index
        %parallel_loop3A_167 = tpu.vector_load %arg6[%parallel_loop3A_165, %parallel_loop3A_166] {strides = array<i32>} : memref<128x256xf32, #tpu.memory_space<vmem>>, vector<1x16xf32>,
        %parallel_loop3A_168 = vector.shape_cast %parallel_loop3A_167 : vector<1x16xf32> to vector<16xf32>
        %parallel_loop3A_169 = arith.constant 2 : i32
        %parallel_loop3A_170 = arith.addi %parallel_loop3A_156, %parallel_loop3A_169 : i32
        %parallel_loop3A_171 = arith.index_cast %parallel_loop3A_170 : i32 to index
        %parallel_loop3A_172 = arith.index_cast %parallel_loop3A_154 : i32 to index
        %parallel_loop3A_173 = tpu.vector_load %arg6[%parallel_loop3A_171, %parallel_loop3A_172] {strides = array<i32>} : memref<128x256xf32, #tpu.memory_space<vmem>>, vector<1x16xf32>,
        %parallel_loop3A_174 = vector.shape_cast %parallel_loop3A_173 : vector<1x16xf32> to vector<16xf32>
        %parallel_loop3A_175 = arith.constant 3 : i32
        %parallel_loop3A_176 = arith.addi %parallel_loop3A_156, %parallel_loop3A_175 : i32
        %parallel_loop3A_177 = arith.index_cast %parallel_loop3A_176 : i32 to index
        %parallel_loop3A_178 = arith.index_cast %parallel_loop3A_154 : i32 to index
        %parallel_loop3A_179 = tpu.vector_load %arg6[%parallel_loop3A_177, %parallel_loop3A_178] {strides = array<i32>} : memref<128x256xf32, #tpu.memory_space<vmem>>, vector<1x16xf32>,
        %parallel_loop3A_180 = vector.shape_cast %parallel_loop3A_179 : vector<1x16xf32> to vector<16xf32>
        %parallel_loop3A_181 = arith.constant 4 : i32
        %parallel_loop3A_182 = arith.addi %parallel_loop3A_156, %parallel_loop3A_181 : i32
        %parallel_loop3A_183 = arith.index_cast %parallel_loop3A_182 : i32 to index
        %parallel_loop3A_184 = arith.index_cast %parallel_loop3A_154 : i32 to index
        %parallel_loop3A_185 = tpu.vector_load %arg6[%parallel_loop3A_183, %parallel_loop3A_184] {strides = array<i32>} : memref<128x256xf32, #tpu.memory_space<vmem>>, vector<1x16xf32>,
        %parallel_loop3A_186 = vector.shape_cast %parallel_loop3A_185 : vector<1x16xf32> to vector<16xf32>
        %parallel_loop3A_187 = arith.constant 5 : i32
        %parallel_loop3A_188 = arith.addi %parallel_loop3A_156, %parallel_loop3A_187 : i32
        %parallel_loop3A_189 = arith.index_cast %parallel_loop3A_188 : i32 to index
        %parallel_loop3A_190 = arith.index_cast %parallel_loop3A_154 : i32 to index
        %parallel_loop3A_191 = tpu.vector_load %arg6[%parallel_loop3A_189, %parallel_loop3A_190] {strides = array<i32>} : memref<128x256xf32, #tpu.memory_space<vmem>>, vector<1x16xf32>,
        %parallel_loop3A_192 = vector.shape_cast %parallel_loop3A_191 : vector<1x16xf32> to vector<16xf32>
        %parallel_loop3A_193 = arith.constant 6 : i32
        %parallel_loop3A_194 = arith.addi %parallel_loop3A_156, %parallel_loop3A_193 : i32
        %parallel_loop3A_195 = arith.index_cast %parallel_loop3A_194 : i32 to index
        %parallel_loop3A_196 = arith.index_cast %parallel_loop3A_154 : i32 to index
        %parallel_loop3A_197 = tpu.vector_load %arg6[%parallel_loop3A_195, %parallel_loop3A_196] {strides = array<i32>} : memref<128x256xf32, #tpu.memory_space<vmem>>, vector<1x16xf32>,
        %parallel_loop3A_198 = vector.shape_cast %parallel_loop3A_197 : vector<1x16xf32> to vector<16xf32>
        %parallel_loop3A_199 = arith.constant 7 : i32
        %parallel_loop3A_200 = arith.addi %parallel_loop3A_156, %parallel_loop3A_199 : i32
        %parallel_loop3A_201 = arith.index_cast %parallel_loop3A_200 : i32 to index
        %parallel_loop3A_202 = arith.index_cast %parallel_loop3A_154 : i32 to index
        %parallel_loop3A_203 = tpu.vector_load %arg6[%parallel_loop3A_201, %parallel_loop3A_202] {strides = array<i32>} : memref<128x256xf32, #tpu.memory_space<vmem>>, vector<1x16xf32>,
        %parallel_loop3A_204 = vector.shape_cast %parallel_loop3A_203 : vector<1x16xf32> to vector<16xf32>
        %parallel_loop3A_205 = arith.constant 8 : i32
        %parallel_loop3A_206 = arith.addi %parallel_loop3A_156, %parallel_loop3A_205 : i32
        %parallel_loop3A_207 = arith.index_cast %parallel_loop3A_206 : i32 to index
        %parallel_loop3A_208 = arith.index_cast %parallel_loop3A_154 : i32 to index
        %parallel_loop3A_209 = tpu.vector_load %arg6[%parallel_loop3A_207, %parallel_loop3A_208] {strides = array<i32>} : memref<128x256xf32, #tpu.memory_space<vmem>>, vector<1x16xf32>,
        %parallel_loop3A_210 = vector.shape_cast %parallel_loop3A_209 : vector<1x16xf32> to vector<16xf32>
        %parallel_loop3A_211 = arith.constant 9 : i32
        %parallel_loop3A_212 = arith.addi %parallel_loop3A_156, %parallel_loop3A_211 : i32
        %parallel_loop3A_213 = arith.index_cast %parallel_loop3A_212 : i32 to index
        %parallel_loop3A_214 = arith.index_cast %parallel_loop3A_154 : i32 to index
        %parallel_loop3A_215 = tpu.vector_load %arg6[%parallel_loop3A_213, %parallel_loop3A_214] {strides = array<i32>} : memref<128x256xf32, #tpu.memory_space<vmem>>, vector<1x16xf32>,
        %parallel_loop3A_216 = vector.shape_cast %parallel_loop3A_215 : vector<1x16xf32> to vector<16xf32>
        %parallel_loop3A_217 = arith.constant 10 : i32
        %parallel_loop3A_218 = arith.addi %parallel_loop3A_156, %parallel_loop3A_217 : i32
        %parallel_loop3A_219 = arith.index_cast %parallel_loop3A_218 : i32 to index
        %parallel_loop3A_220 = arith.index_cast %parallel_loop3A_154 : i32 to index
        %parallel_loop3A_221 = tpu.vector_load %arg6[%parallel_loop3A_219, %parallel_loop3A_220] {strides = array<i32>} : memref<128x256xf32, #tpu.memory_space<vmem>>, vector<1x16xf32>,
        %parallel_loop3A_222 = vector.shape_cast %parallel_loop3A_221 : vector<1x16xf32> to vector<16xf32>
        %parallel_loop3A_223 = arith.constant 11 : i32
        %parallel_loop3A_224 = arith.addi %parallel_loop3A_156, %parallel_loop3A_223 : i32
        %parallel_loop3A_225 = arith.index_cast %parallel_loop3A_224 : i32 to index
        %parallel_loop3A_226 = arith.index_cast %parallel_loop3A_154 : i32 to index
        %parallel_loop3A_227 = tpu.vector_load %arg6[%parallel_loop3A_225, %parallel_loop3A_226] {strides = array<i32>} : memref<128x256xf32, #tpu.memory_space<vmem>>, vector<1x16xf32>,
        %parallel_loop3A_228 = vector.shape_cast %parallel_loop3A_227 : vector<1x16xf32> to vector<16xf32>
        %parallel_loop3A_229 = arith.constant 12 : i32
        %parallel_loop3A_230 = arith.addi %parallel_loop3A_156, %parallel_loop3A_229 : i32
        %parallel_loop3A_231 = arith.index_cast %parallel_loop3A_230 : i32 to index
        %parallel_loop3A_232 = arith.index_cast %parallel_loop3A_154 : i32 to index
        %parallel_loop3A_233 = tpu.vector_load %arg6[%parallel_loop3A_231, %parallel_loop3A_232] {strides = array<i32>} : memref<128x256xf32, #tpu.memory_space<vmem>>, vector<1x16xf32>,
        %parallel_loop3A_234 = vector.shape_cast %parallel_loop3A_233 : vector<1x16xf32> to vector<16xf32>
        %parallel_loop3A_235 = arith.constant 13 : i32
        %parallel_loop3A_236 = arith.addi %parallel_loop3A_156, %parallel_loop3A_235 : i32
        %parallel_loop3A_237 = arith.index_cast %parallel_loop3A_236 : i32 to index
        %parallel_loop3A_238 = arith.index_cast %parallel_loop3A_154 : i32 to index
        %parallel_loop3A_239 = tpu.vector_load %arg6[%parallel_loop3A_237, %parallel_loop3A_238] {strides = array<i32>} : memref<128x256xf32, #tpu.memory_space<vmem>>, vector<1x16xf32>,
        %parallel_loop3A_240 = vector.shape_cast %parallel_loop3A_239 : vector<1x16xf32> to vector<16xf32>
        %parallel_loop3A_241 = arith.constant 14 : i32
        %parallel_loop3A_242 = arith.addi %parallel_loop3A_156, %parallel_loop3A_241 : i32
        %parallel_loop3A_243 = arith.index_cast %parallel_loop3A_242 : i32 to index
        %parallel_loop3A_244 = arith.index_cast %parallel_loop3A_154 : i32 to index
        %parallel_loop3A_245 = tpu.vector_load %arg6[%parallel_loop3A_243, %parallel_loop3A_244] {strides = array<i32>} : memref<128x256xf32, #tpu.memory_space<vmem>>, vector<1x16xf32>,
        %parallel_loop3A_246 = vector.shape_cast %parallel_loop3A_245 : vector<1x16xf32> to vector<16xf32>
        %parallel_loop3A_247 = arith.constant 15 : i32
        %parallel_loop3A_248 = arith.addi %parallel_loop3A_156, %parallel_loop3A_247 : i32
        %parallel_loop3A_249 = arith.index_cast %parallel_loop3A_248 : i32 to index
        %parallel_loop3A_250 = arith.index_cast %parallel_loop3A_154 : i32 to index
        %parallel_loop3A_251 = tpu.vector_load %arg6[%parallel_loop3A_249, %parallel_loop3A_250] {strides = array<i32>} : memref<128x256xf32, #tpu.memory_space<vmem>>, vector<1x16xf32>,
        %parallel_loop3A_252 = vector.shape_cast %parallel_loop3A_251 : vector<1x16xf32> to vector<16xf32>
        %parallel_loop3A_253 = arith.addf %parallel_loop3A_162, %parallel_loop3A_168 : vector<16xf32>
        %parallel_loop3A_254 = arith.addf %parallel_loop3A_174, %parallel_loop3A_180 : vector<16xf32>
        %parallel_loop3A_255 = arith.addf %parallel_loop3A_186, %parallel_loop3A_192 : vector<16xf32>
        %parallel_loop3A_256 = arith.addf %parallel_loop3A_198, %parallel_loop3A_204 : vector<16xf32>
        %parallel_loop3A_257 = arith.addf %parallel_loop3A_210, %parallel_loop3A_216 : vector<16xf32>
        %parallel_loop3A_258 = arith.addf %parallel_loop3A_222, %parallel_loop3A_228 : vector<16xf32>
        %parallel_loop3A_259 = arith.addf %parallel_loop3A_234, %parallel_loop3A_240 : vector<16xf32>
        %parallel_loop3A_260 = arith.addf %parallel_loop3A_246, %parallel_loop3A_252 : vector<16xf32>
        %parallel_loop3A_261 = arith.addf %parallel_loop3A_253, %parallel_loop3A_254 : vector<16xf32>
        %parallel_loop3A_262 = arith.addf %parallel_loop3A_255, %parallel_loop3A_256 : vector<16xf32>
        %parallel_loop3A_263 = arith.addf %parallel_loop3A_257, %parallel_loop3A_258 : vector<16xf32>
        %parallel_loop3A_264 = arith.addf %parallel_loop3A_259, %parallel_loop3A_260 : vector<16xf32>
        %parallel_loop3A_265 = arith.addf %parallel_loop3A_261, %parallel_loop3A_262 : vector<16xf32>
        %parallel_loop3A_266 = arith.addf %parallel_loop3A_263, %parallel_loop3A_264 : vector<16xf32>
        %parallel_loop3A_267 = arith.addf %parallel_loop3A_265, %parallel_loop3A_266 : vector<16xf32>
        %parallel_loop3A_268 = arith.constant 0 : i32
        %parallel_loop3A_269 = arith.addi %parallel_loop3A_268, %parallel_loop3A_136 : i32
        %parallel_loop3A_270 = arith.index_cast %parallel_loop3A_269 : i32 to index
        %parallel_loop3A_271 = arith.index_cast %parallel_loop3A_154 : i32 to index
        %parallel_loop3A_272 = tpu.vector_load %arg8[%parallel_loop3A_270, %parallel_loop3A_271] {strides = array<i32>} : memref<16x256xf32, #tpu.memory_space<vmem>>, vector<1x16xf32>,
        %parallel_loop3A_273 = vector.shape_cast %parallel_loop3A_272 : vector<1x16xf32> to vector<16xf32>
        %parallel_loop3A_274 = vector.shape_cast %parallel_loop3A_267 : vector<16xf32> to vector<1x16xf32>
        tpu.vector_store %arg8[%parallel_loop3A_270, %parallel_loop3A_271], %parallel_loop3A_274 {strides = array<i32>} : memref<16x256xf32, #tpu.memory_space<vmem>>, vector<1x16xf32>,
      } {sc.loop_unroll_factor = 1 : i64, sc.parallel_access}
      %add3A_81 = arith.constant 2 : i32
      %add3A_82 = arith.addi %add3A_72, %add3A_81 : i32
      %lt3A = arith.cmpi slt, %add3A_82, %select_n3A_6 : i32
      %convert_element_type3A_83 = arith.extui %lt3A : i1 to i32
      %cond3A_84 = arith.constant 0 : i32
      %cond3A_85 = arith.cmpi ne, %convert_element_type3A_83, %cond3A_84 : i32
      scf.if %cond3A_85 {
        %add3A_112 = arith.constant 2 : i32
        %add3A_113 = arith.addi %add3A_72, %add3A_112 : i32
        %mul3A_114 = arith.constant 128 : i32
        %mul3A_115 = arith.muli %add3A_113, %mul3A_114 : i32
        %dma_start3A_116 = tpu.memref_slice %arg5[%mul3A_115] : memref<4864xi32, #tpu.memory_space<vmem>> -> memref<128xi32, #tpu.memory_space<vmem>>
        %dma_start3A_117 = arith.constant 0 : i32
        %dma_start3A_118 = arith.constant 0 : i32
        %dma_start3A_119 = tpu.memref_slice %arg2[%dma_start3A_117, %dma_start3A_118] : memref<10000x256xf32, #tpu.memory_space<hbm>> -> memref<10000x256xf32, #tpu.memory_space<hbm>>
        tpu.enqueue_indirect_dma source(%dma_start3A_119 : memref<10000x256xf32, #tpu.memory_space<hbm>>) target(%arg6 : memref<128x256xf32, #tpu.memory_space<vmem>>) offsets(%dma_start3A_116 : memref<128xi32, #tpu.memory_space<vmem>>) semaphore(%arg9 : memref<!tpu.dma_semaphore, #tpu.memory_space<semaphore_mem>>)
      } else {
      }
      %mul3A_86 = arith.constant 2 : i32
      %mul3A_87 = arith.muli %mul3A_86, %add3A_64 : i32
      %add3A_88 = arith.constant 1 : i32
      %add3A_89 = arith.addi %mul3A_87, %add3A_88 : i32
      %mul3A_90 = arith.constant 128 : i32
      %mul3A_91 = arith.muli %add3A_89, %mul3A_90 : i32
      %dma_wait3A_92 = tpu.memref_slice %arg5[%mul3A_91] : memref<4864xi32, #tpu.memory_space<vmem>> -> memref<128xi32, #tpu.memory_space<vmem>>
      %dma_wait3A_93 = arith.constant 0 : i32
      %dma_wait3A_94 = arith.constant 0 : i32
      %dma_wait3A_95 = tpu.memref_slice %arg2[%dma_wait3A_93, %dma_wait3A_94] : memref<10000x256xf32, #tpu.memory_space<hbm>> -> memref<10000x256xf32, #tpu.memory_space<hbm>>
      tpu.wait_indirect_dma semaphore(%arg10 : memref<!tpu.dma_semaphore, #tpu.memory_space<semaphore_mem>>) src(%dma_wait3A_95 : memref<10000x256xf32, #tpu.memory_space<hbm>>) dst(%arg7 : memref<128x256xf32, #tpu.memory_space<vmem>>)
      %parallel_loop3A_96 = arith.constant 0 : i32
      %parallel_loop3A_97 = arith.constant 128 : i32
      %parallel_loop3A_98 = arith.constant 1 : i32
      scf.for %parallel_loop3A_112 = %parallel_loop3A_96 to %parallel_loop3A_97 step %parallel_loop3A_98  : i32 {
        %parallel_loop3A_113 = arith.constant 16 : i32
        %parallel_loop3A_114 = arith.divsi %parallel_loop3A_112, %parallel_loop3A_113 : i32
        %parallel_loop3A_115 = arith.constant 0 : i32
        %parallel_loop3A_116 = arith.cmpi sgt, %parallel_loop3A_112, %parallel_loop3A_115 : i32
        %parallel_loop3A_117 = arith.extui %parallel_loop3A_116 : i1 to i32
        %parallel_loop3A_118 = arith.constant 0 : i32
        %parallel_loop3A_119 = arith.cmpi slt, %parallel_loop3A_112, %parallel_loop3A_118 : i32
        %parallel_loop3A_120 = arith.extui %parallel_loop3A_119 : i1 to i32
        %parallel_loop3A_121 = arith.subi %parallel_loop3A_117, %parallel_loop3A_120 : i32
        %parallel_loop3A_122 = arith.constant 0 : i32
        %parallel_loop3A_123 = arith.cmpi sgt, %parallel_loop3A_113, %parallel_loop3A_122 : i32
        %parallel_loop3A_124 = arith.extui %parallel_loop3A_123 : i1 to i32
        %parallel_loop3A_125 = arith.constant 0 : i32
        %parallel_loop3A_126 = arith.cmpi slt, %parallel_loop3A_113, %parallel_loop3A_125 : i32
        %parallel_loop3A_127 = arith.extui %parallel_loop3A_126 : i1 to i32
        %parallel_loop3A_128 = arith.subi %parallel_loop3A_124, %parallel_loop3A_127 : i32
        %parallel_loop3A_129 = arith.cmpi ne, %parallel_loop3A_121, %parallel_loop3A_128 : i32
        %parallel_loop3A_130 = arith.remsi %parallel_loop3A_112, %parallel_loop3A_113 : i32
        %parallel_loop3A_131 = arith.constant 0 : i32
        %parallel_loop3A_132 = arith.cmpi ne, %parallel_loop3A_130, %parallel_loop3A_131 : i32
        %parallel_loop3A_133 = arith.andi %parallel_loop3A_129, %parallel_loop3A_132 : i1
        %parallel_loop3A_134 = arith.constant 1 : i32
        %parallel_loop3A_135 = arith.subi %parallel_loop3A_114, %parallel_loop3A_134 : i32
        %parallel_loop3A_136 = arith.select %parallel_loop3A_133, %parallel_loop3A_135, %parallel_loop3A_114 : i32
        %parallel_loop3A_137 = arith.constant 16 : i32
        %parallel_loop3A_138 = arith.constant 0 : i32
        %parallel_loop3A_139 = arith.cmpi eq, %parallel_loop3A_137, %parallel_loop3A_138 : i32
        %parallel_loop3A_140 = arith.constant 1 : i32
        %parallel_loop3A_141 = arith.select %parallel_loop3A_139, %parallel_loop3A_140, %parallel_loop3A_137 : i32
        %parallel_loop3A_142 = arith.remsi %parallel_loop3A_112, %parallel_loop3A_141 : i32
        %parallel_loop3A_143 = arith.constant 0 : i32
        %parallel_loop3A_144 = arith.cmpi ne, %parallel_loop3A_142, %parallel_loop3A_143 : i32
        %parallel_loop3A_145 = arith.constant 0 : i32
        %parallel_loop3A_146 = arith.cmpi slt, %parallel_loop3A_142, %parallel_loop3A_145 : i32
        %parallel_loop3A_147 = arith.constant 0 : i32
        %parallel_loop3A_148 = arith.cmpi slt, %parallel_loop3A_141, %parallel_loop3A_147 : i32
        %parallel_loop3A_149 = arith.xori %parallel_loop3A_146, %parallel_loop3A_148 : i1
        %parallel_loop3A_150 = arith.andi %parallel_loop3A_149, %parallel_loop3A_144 : i1
        %parallel_loop3A_151 = arith.addi %parallel_loop3A_142, %parallel_loop3A_141 : i32
        %parallel_loop3A_152 = arith.select %parallel_loop3A_150, %parallel_loop3A_151, %parallel_loop3A_142 : i32
        %parallel_loop3A_153 = arith.constant 16 : i32
        %parallel_loop3A_154 = arith.muli %parallel_loop3A_152, %parallel_loop3A_153 : i32
        %parallel_loop3A_155 = arith.constant 16 : i32
        %parallel_loop3A_156 = arith.muli %parallel_loop3A_136, %parallel_loop3A_155 : i32
        %parallel_loop3A_157 = arith.constant 0 : i32
        %parallel_loop3A_158 = arith.addi %parallel_loop3A_156, %parallel_loop3A_157 : i32
        %parallel_loop3A_159 = arith.index_cast %parallel_loop3A_158 : i32 to index
        %parallel_loop3A_160 = arith.index_cast %parallel_loop3A_154 : i32 to index
        %parallel_loop3A_161 = tpu.vector_load %arg7[%parallel_loop3A_159, %parallel_loop3A_160] {strides = array<i32>} : memref<128x256xf32, #tpu.memory_space<vmem>>, vector<1x16xf32>,
        %parallel_loop3A_162 = vector.shape_cast %parallel_loop3A_161 : vector<1x16xf32> to vector<16xf32>
        %parallel_loop3A_163 = arith.constant 1 : i32
        %parallel_loop3A_164 = arith.addi %parallel_loop3A_156, %parallel_loop3A_163 : i32
        %parallel_loop3A_165 = arith.index_cast %parallel_loop3A_164 : i32 to index
        %parallel_loop3A_166 = arith.index_cast %parallel_loop3A_154 : i32 to index
        %parallel_loop3A_167 = tpu.vector_load %arg7[%parallel_loop3A_165, %parallel_loop3A_166] {strides = array<i32>} : memref<128x256xf32, #tpu.memory_space<vmem>>, vector<1x16xf32>,
        %parallel_loop3A_168 = vector.shape_cast %parallel_loop3A_167 : vector<1x16xf32> to vector<16xf32>
        %parallel_loop3A_169 = arith.constant 2 : i32
        %parallel_loop3A_170 = arith.addi %parallel_loop3A_156, %parallel_loop3A_169 : i32
        %parallel_loop3A_171 = arith.index_cast %parallel_loop3A_170 : i32 to index
        %parallel_loop3A_172 = arith.index_cast %parallel_loop3A_154 : i32 to index
        %parallel_loop3A_173 = tpu.vector_load %arg7[%parallel_loop3A_171, %parallel_loop3A_172] {strides = array<i32>} : memref<128x256xf32, #tpu.memory_space<vmem>>, vector<1x16xf32>,
        %parallel_loop3A_174 = vector.shape_cast %parallel_loop3A_173 : vector<1x16xf32> to vector<16xf32>
        %parallel_loop3A_175 = arith.constant 3 : i32
        %parallel_loop3A_176 = arith.addi %parallel_loop3A_156, %parallel_loop3A_175 : i32
        %parallel_loop3A_177 = arith.index_cast %parallel_loop3A_176 : i32 to index
        %parallel_loop3A_178 = arith.index_cast %parallel_loop3A_154 : i32 to index
        %parallel_loop3A_179 = tpu.vector_load %arg7[%parallel_loop3A_177, %parallel_loop3A_178] {strides = array<i32>} : memref<128x256xf32, #tpu.memory_space<vmem>>, vector<1x16xf32>,
        %parallel_loop3A_180 = vector.shape_cast %parallel_loop3A_179 : vector<1x16xf32> to vector<16xf32>
        %parallel_loop3A_181 = arith.constant 4 : i32
        %parallel_loop3A_182 = arith.addi %parallel_loop3A_156, %parallel_loop3A_181 : i32
        %parallel_loop3A_183 = arith.index_cast %parallel_loop3A_182 : i32 to index
        %parallel_loop3A_184 = arith.index_cast %parallel_loop3A_154 : i32 to index
        %parallel_loop3A_185 = tpu.vector_load %arg7[%parallel_loop3A_183, %parallel_loop3A_184] {strides = array<i32>} : memref<128x256xf32, #tpu.memory_space<vmem>>, vector<1x16xf32>,
        %parallel_loop3A_186 = vector.shape_cast %parallel_loop3A_185 : vector<1x16xf32> to vector<16xf32>
        %parallel_loop3A_187 = arith.constant 5 : i32
        %parallel_loop3A_188 = arith.addi %parallel_loop3A_156, %parallel_loop3A_187 : i32
        %parallel_loop3A_189 = arith.index_cast %parallel_loop3A_188 : i32 to index
        %parallel_loop3A_190 = arith.index_cast %parallel_loop3A_154 : i32 to index
        %parallel_loop3A_191 = tpu.vector_load %arg7[%parallel_loop3A_189, %parallel_loop3A_190] {strides = array<i32>} : memref<128x256xf32, #tpu.memory_space<vmem>>, vector<1x16xf32>,
        %parallel_loop3A_192 = vector.shape_cast %parallel_loop3A_191 : vector<1x16xf32> to vector<16xf32>
        %parallel_loop3A_193 = arith.constant 6 : i32
        %parallel_loop3A_194 = arith.addi %parallel_loop3A_156, %parallel_loop3A_193 : i32
        %parallel_loop3A_195 = arith.index_cast %parallel_loop3A_194 : i32 to index
        %parallel_loop3A_196 = arith.index_cast %parallel_loop3A_154 : i32 to index
        %parallel_loop3A_197 = tpu.vector_load %arg7[%parallel_loop3A_195, %parallel_loop3A_196] {strides = array<i32>} : memref<128x256xf32, #tpu.memory_space<vmem>>, vector<1x16xf32>,
        %parallel_loop3A_198 = vector.shape_cast %parallel_loop3A_197 : vector<1x16xf32> to vector<16xf32>
        %parallel_loop3A_199 = arith.constant 7 : i32
        %parallel_loop3A_200 = arith.addi %parallel_loop3A_156, %parallel_loop3A_199 : i32
        %parallel_loop3A_201 = arith.index_cast %parallel_loop3A_200 : i32 to index
        %parallel_loop3A_202 = arith.index_cast %parallel_loop3A_154 : i32 to index
        %parallel_loop3A_203 = tpu.vector_load %arg7[%parallel_loop3A_201, %parallel_loop3A_202] {strides = array<i32>} : memref<128x256xf32, #tpu.memory_space<vmem>>, vector<1x16xf32>,
        %parallel_loop3A_204 = vector.shape_cast %parallel_loop3A_203 : vector<1x16xf32> to vector<16xf32>
        %parallel_loop3A_205 = arith.constant 8 : i32
        %parallel_loop3A_206 = arith.addi %parallel_loop3A_156, %parallel_loop3A_205 : i32
        %parallel_loop3A_207 = arith.index_cast %parallel_loop3A_206 : i32 to index
        %parallel_loop3A_208 = arith.index_cast %parallel_loop3A_154 : i32 to index
        %parallel_loop3A_209 = tpu.vector_load %arg7[%parallel_loop3A_207, %parallel_loop3A_208] {strides = array<i32>} : memref<128x256xf32, #tpu.memory_space<vmem>>, vector<1x16xf32>,
        %parallel_loop3A_210 = vector.shape_cast %parallel_loop3A_209 : vector<1x16xf32> to vector<16xf32>
        %parallel_loop3A_211 = arith.constant 9 : i32
        %parallel_loop3A_212 = arith.addi %parallel_loop3A_156, %parallel_loop3A_211 : i32
        %parallel_loop3A_213 = arith.index_cast %parallel_loop3A_212 : i32 to index
        %parallel_loop3A_214 = arith.index_cast %parallel_loop3A_154 : i32 to index
        %parallel_loop3A_215 = tpu.vector_load %arg7[%parallel_loop3A_213, %parallel_loop3A_214] {strides = array<i32>} : memref<128x256xf32, #tpu.memory_space<vmem>>, vector<1x16xf32>,
        %parallel_loop3A_216 = vector.shape_cast %parallel_loop3A_215 : vector<1x16xf32> to vector<16xf32>
        %parallel_loop3A_217 = arith.constant 10 : i32
        %parallel_loop3A_218 = arith.addi %parallel_loop3A_156, %parallel_loop3A_217 : i32
        %parallel_loop3A_219 = arith.index_cast %parallel_loop3A_218 : i32 to index
        %parallel_loop3A_220 = arith.index_cast %parallel_loop3A_154 : i32 to index
        %parallel_loop3A_221 = tpu.vector_load %arg7[%parallel_loop3A_219, %parallel_loop3A_220] {strides = array<i32>} : memref<128x256xf32, #tpu.memory_space<vmem>>, vector<1x16xf32>,
        %parallel_loop3A_222 = vector.shape_cast %parallel_loop3A_221 : vector<1x16xf32> to vector<16xf32>
        %parallel_loop3A_223 = arith.constant 11 : i32
        %parallel_loop3A_224 = arith.addi %parallel_loop3A_156, %parallel_loop3A_223 : i32
        %parallel_loop3A_225 = arith.index_cast %parallel_loop3A_224 : i32 to index
        %parallel_loop3A_226 = arith.index_cast %parallel_loop3A_154 : i32 to index
        %parallel_loop3A_227 = tpu.vector_load %arg7[%parallel_loop3A_225, %parallel_loop3A_226] {strides = array<i32>} : memref<128x256xf32, #tpu.memory_space<vmem>>, vector<1x16xf32>,
        %parallel_loop3A_228 = vector.shape_cast %parallel_loop3A_227 : vector<1x16xf32> to vector<16xf32>
        %parallel_loop3A_229 = arith.constant 12 : i32
        %parallel_loop3A_230 = arith.addi %parallel_loop3A_156, %parallel_loop3A_229 : i32
        %parallel_loop3A_231 = arith.index_cast %parallel_loop3A_230 : i32 to index
        %parallel_loop3A_232 = arith.index_cast %parallel_loop3A_154 : i32 to index
        %parallel_loop3A_233 = tpu.vector_load %arg7[%parallel_loop3A_231, %parallel_loop3A_232] {strides = array<i32>} : memref<128x256xf32, #tpu.memory_space<vmem>>, vector<1x16xf32>,
        %parallel_loop3A_234 = vector.shape_cast %parallel_loop3A_233 : vector<1x16xf32> to vector<16xf32>
        %parallel_loop3A_235 = arith.constant 13 : i32
        %parallel_loop3A_236 = arith.addi %parallel_loop3A_156, %parallel_loop3A_235 : i32
        %parallel_loop3A_237 = arith.index_cast %parallel_loop3A_236 : i32 to index
        %parallel_loop3A_238 = arith.index_cast %parallel_loop3A_154 : i32 to index
        %parallel_loop3A_239 = tpu.vector_load %arg7[%parallel_loop3A_237, %parallel_loop3A_238] {strides = array<i32>} : memref<128x256xf32, #tpu.memory_space<vmem>>, vector<1x16xf32>,
        %parallel_loop3A_240 = vector.shape_cast %parallel_loop3A_239 : vector<1x16xf32> to vector<16xf32>
        %parallel_loop3A_241 = arith.constant 14 : i32
        %parallel_loop3A_242 = arith.addi %parallel_loop3A_156, %parallel_loop3A_241 : i32
        %parallel_loop3A_243 = arith.index_cast %parallel_loop3A_242 : i32 to index
        %parallel_loop3A_244 = arith.index_cast %parallel_loop3A_154 : i32 to index
        %parallel_loop3A_245 = tpu.vector_load %arg7[%parallel_loop3A_243, %parallel_loop3A_244] {strides = array<i32>} : memref<128x256xf32, #tpu.memory_space<vmem>>, vector<1x16xf32>,
        %parallel_loop3A_246 = vector.shape_cast %parallel_loop3A_245 : vector<1x16xf32> to vector<16xf32>
        %parallel_loop3A_247 = arith.constant 15 : i32
        %parallel_loop3A_248 = arith.addi %parallel_loop3A_156, %parallel_loop3A_247 : i32
        %parallel_loop3A_249 = arith.index_cast %parallel_loop3A_248 : i32 to index
        %parallel_loop3A_250 = arith.index_cast %parallel_loop3A_154 : i32 to index
        %parallel_loop3A_251 = tpu.vector_load %arg7[%parallel_loop3A_249, %parallel_loop3A_250] {strides = array<i32>} : memref<128x256xf32, #tpu.memory_space<vmem>>, vector<1x16xf32>,
        %parallel_loop3A_252 = vector.shape_cast %parallel_loop3A_251 : vector<1x16xf32> to vector<16xf32>
        %parallel_loop3A_253 = arith.addf %parallel_loop3A_162, %parallel_loop3A_168 : vector<16xf32>
        %parallel_loop3A_254 = arith.addf %parallel_loop3A_174, %parallel_loop3A_180 : vector<16xf32>
        %parallel_loop3A_255 = arith.addf %parallel_loop3A_186, %parallel_loop3A_192 : vector<16xf32>
        %parallel_loop3A_256 = arith.addf %parallel_loop3A_198, %parallel_loop3A_204 : vector<16xf32>
        %parallel_loop3A_257 = arith.addf %parallel_loop3A_210, %parallel_loop3A_216 : vector<16xf32>
        %parallel_loop3A_258 = arith.addf %parallel_loop3A_222, %parallel_loop3A_228 : vector<16xf32>
        %parallel_loop3A_259 = arith.addf %parallel_loop3A_234, %parallel_loop3A_240 : vector<16xf32>
        %parallel_loop3A_260 = arith.addf %parallel_loop3A_246, %parallel_loop3A_252 : vector<16xf32>
        %parallel_loop3A_261 = arith.addf %parallel_loop3A_253, %parallel_loop3A_254 : vector<16xf32>
        %parallel_loop3A_262 = arith.addf %parallel_loop3A_255, %parallel_loop3A_256 : vector<16xf32>
        %parallel_loop3A_263 = arith.addf %parallel_loop3A_257, %parallel_loop3A_258 : vector<16xf32>
        %parallel_loop3A_264 = arith.addf %parallel_loop3A_259, %parallel_loop3A_260 : vector<16xf32>
        %parallel_loop3A_265 = arith.addf %parallel_loop3A_261, %parallel_loop3A_262 : vector<16xf32>
        %parallel_loop3A_266 = arith.addf %parallel_loop3A_263, %parallel_loop3A_264 : vector<16xf32>
        %parallel_loop3A_267 = arith.addf %parallel_loop3A_265, %parallel_loop3A_266 : vector<16xf32>
        %parallel_loop3A_268 = arith.constant 8 : i32
        %parallel_loop3A_269 = arith.addi %parallel_loop3A_268, %parallel_loop3A_136 : i32
        %parallel_loop3A_270 = arith.index_cast %parallel_loop3A_269 : i32 to index
        %parallel_loop3A_271 = arith.index_cast %parallel_loop3A_154 : i32 to index
        %parallel_loop3A_272 = tpu.vector_load %arg8[%parallel_loop3A_270, %parallel_loop3A_271] {strides = array<i32>} : memref<16x256xf32, #tpu.memory_space<vmem>>, vector<1x16xf32>,
        %parallel_loop3A_273 = vector.shape_cast %parallel_loop3A_272 : vector<1x16xf32> to vector<16xf32>
        %parallel_loop3A_274 = vector.shape_cast %parallel_loop3A_267 : vector<16xf32> to vector<1x16xf32>
        tpu.vector_store %arg8[%parallel_loop3A_270, %parallel_loop3A_271], %parallel_loop3A_274 {strides = array<i32>} : memref<16x256xf32, #tpu.memory_space<vmem>>, vector<1x16xf32>,
      } {sc.loop_unroll_factor = 1 : i64, sc.parallel_access}
      %add3A_99 = arith.constant 2 : i32
      %add3A_100 = arith.addi %add3A_89, %add3A_99 : i32
      %lt3A_101 = arith.cmpi slt, %add3A_100, %select_n3A_6 : i32
      %convert_element_type3A_102 = arith.extui %lt3A_101 : i1 to i32
      %cond3A_103 = arith.constant 0 : i32
      %cond3A_104 = arith.cmpi ne, %convert_element_type3A_102, %cond3A_103 : i32
      scf.if %cond3A_104 {
        %add3A_112 = arith.constant 2 : i32
        %add3A_113 = arith.addi %add3A_89, %add3A_112 : i32
        %mul3A_114 = arith.constant 128 : i32
        %mul3A_115 = arith.muli %add3A_113, %mul3A_114 : i32
        %dma_start3A_116 = tpu.memref_slice %arg5[%mul3A_115] : memref<4864xi32, #tpu.memory_space<vmem>> -> memref<128xi32, #tpu.memory_space<vmem>>
        %dma_start3A_117 = arith.constant 0 : i32
        %dma_start3A_118 = arith.constant 0 : i32
        %dma_start3A_119 = tpu.memref_slice %arg2[%dma_start3A_117, %dma_start3A_118] : memref<10000x256xf32, #tpu.memory_space<hbm>> -> memref<10000x256xf32, #tpu.memory_space<hbm>>
        tpu.enqueue_indirect_dma source(%dma_start3A_119 : memref<10000x256xf32, #tpu.memory_space<hbm>>) target(%arg7 : memref<128x256xf32, #tpu.memory_space<vmem>>) offsets(%dma_start3A_116 : memref<128xi32, #tpu.memory_space<vmem>>) semaphore(%arg10 : memref<!tpu.dma_semaphore, #tpu.memory_space<semaphore_mem>>)
      } else {
      }
      %mul3A_105 = arith.constant 16 : i32
      %mul3A_106 = arith.muli %add3A_64, %mul3A_105 : i32
      %add3A_107 = arith.addi %select_n3A, %mul3A_106 : i32
      %dma_start3A_108 = arith.constant 0 : i32
      %dma_start3A_109 = tpu.memref_slice %arg4[%add3A_107, %dma_start3A_108] : memref<6144x256xf32, #tpu.memory_space<hbm>> -> memref<16x256xf32, #tpu.memory_space<hbm>>
      %dma_start3A_110 = arith.constant 0 : i32
      %dma_start3A_111 = tpu.memref_slice %arg4[%add3A_107, %dma_start3A_110] : memref<6144x256xf32, #tpu.memory_space<hbm>> -> memref<16x256xf32, #tpu.memory_space<hbm>>
      tpu.enqueue_dma source(%arg8 : memref<16x256xf32, #tpu.memory_space<vmem>>) target(%dma_start3A_111 : memref<16x256xf32, #tpu.memory_space<hbm>>) target_semaphore(%arg11 : memref<!tpu.dma_semaphore, #tpu.memory_space<semaphore_mem>>)
    }
    %while3A_56 = arith.constant 1 : i32
    scf.for %while3A_62 = %while3A_54 to %while3A_50 step %while3A_56  : i32 {
      %mul3A_63 = arith.muli %while3A_62, %while3A : i32
      %add3A_64 = arith.addi %while3A_47, %mul3A_63 : i32
      %gt3A = arith.constant 0 : i32
      %gt3A_65 = arith.cmpi sgt, %add3A_64, %gt3A : i32
      %convert_element_type3A_66 = arith.extui %gt3A_65 : i1 to i32
      %cond3A_67 = arith.constant 0 : i32
      %cond3A_68 = arith.cmpi ne, %convert_element_type3A_66, %cond3A_67 : i32
      scf.if %cond3A_68 {
        %dma_wait3A_112 = arith.constant 0 : i32
        %dma_wait3A_113 = arith.constant 0 : i32
        %dma_wait3A_114 = tpu.memref_slice %arg4[%dma_wait3A_112, %dma_wait3A_113] : memref<6144x256xf32, #tpu.memory_space<hbm>> -> memref<16x256xf32, #tpu.memory_space<hbm>>
        %dma_wait3A_115 = arith.constant 0 : i32
        %dma_wait3A_116 = arith.constant 0 : i32
        %dma_wait3A_117 = tpu.memref_slice %arg4[%dma_wait3A_115, %dma_wait3A_116] : memref<6144x256xf32, #tpu.memory_space<hbm>> -> memref<16x256xf32, #tpu.memory_space<hbm>>
        tpu.wait_dma2 semaphore(%arg11 : memref<!tpu.dma_semaphore, #tpu.memory_space<semaphore_mem>>) src(%arg8 : memref<16x256xf32, #tpu.memory_space<vmem>>) dst(%dma_wait3A_117 : memref<16x256xf32, #tpu.memory_space<hbm>>)
      } else {
      }
      %mul3A_69 = arith.constant 2 : i32
      %mul3A_70 = arith.muli %mul3A_69, %add3A_64 : i32
      %add3A_71 = arith.constant 0 : i32
      %add3A_72 = arith.addi %mul3A_70, %add3A_71 : i32
      %mul3A_73 = arith.constant 128 : i32
      %mul3A_74 = arith.muli %add3A_72, %mul3A_73 : i32
      %dma_wait3A_75 = tpu.memref_slice %arg5[%mul3A_74] : memref<4864xi32, #tpu.memory_space<vmem>> -> memref<128xi32, #tpu.memory_space<vmem>>
      %dma_wait3A_76 = arith.constant 0 : i32
      %dma_wait3A_77 = arith.constant 0 : i32
      %dma_wait3A_78 = tpu.memref_slice %arg2[%dma_wait3A_76, %dma_wait3A_77] : memref<10000x256xf32, #tpu.memory_space<hbm>> -> memref<10000x256xf32, #tpu.memory_space<hbm>>
      tpu.wait_indirect_dma semaphore(%arg9 : memref<!tpu.dma_semaphore, #tpu.memory_space<semaphore_mem>>) src(%dma_wait3A_78 : memref<10000x256xf32, #tpu.memory_space<hbm>>) dst(%arg6 : memref<128x256xf32, #tpu.memory_space<vmem>>)
      %parallel_loop3A = arith.constant 0 : i32
      %parallel_loop3A_79 = arith.constant 128 : i32
      %parallel_loop3A_80 = arith.constant 1 : i32
      scf.for %parallel_loop3A_112 = %parallel_loop3A to %parallel_loop3A_79 step %parallel_loop3A_80  : i32 {
        %parallel_loop3A_113 = arith.constant 16 : i32
        %parallel_loop3A_114 = arith.divsi %parallel_loop3A_112, %parallel_loop3A_113 : i32
        %parallel_loop3A_115 = arith.constant 0 : i32
        %parallel_loop3A_116 = arith.cmpi sgt, %parallel_loop3A_112, %parallel_loop3A_115 : i32
        %parallel_loop3A_117 = arith.extui %parallel_loop3A_116 : i1 to i32
        %parallel_loop3A_118 = arith.constant 0 : i32
        %parallel_loop3A_119 = arith.cmpi slt, %parallel_loop3A_112, %parallel_loop3A_118 : i32
        %parallel_loop3A_120 = arith.extui %parallel_loop3A_119 : i1 to i32
        %parallel_loop3A_121 = arith.subi %parallel_loop3A_117, %parallel_loop3A_120 : i32
        %parallel_loop3A_122 = arith.constant 0 : i32
        %parallel_loop3A_123 = arith.cmpi sgt, %parallel_loop3A_113, %parallel_loop3A_122 : i32
        %parallel_loop3A_124 = arith.extui %parallel_loop3A_123 : i1 to i32
        %parallel_loop3A_125 = arith.constant 0 : i32
        %parallel_loop3A_126 = arith.cmpi slt, %parallel_loop3A_113, %parallel_loop3A_125 : i32
        %parallel_loop3A_127 = arith.extui %parallel_loop3A_126 : i1 to i32
        %parallel_loop3A_128 = arith.subi %parallel_loop3A_124, %parallel_loop3A_127 : i32
        %parallel_loop3A_129 = arith.cmpi ne, %parallel_loop3A_121, %parallel_loop3A_128 : i32
        %parallel_loop3A_130 = arith.remsi %parallel_loop3A_112, %parallel_loop3A_113 : i32
        %parallel_loop3A_131 = arith.constant 0 : i32
        %parallel_loop3A_132 = arith.cmpi ne, %parallel_loop3A_130, %parallel_loop3A_131 : i32
        %parallel_loop3A_133 = arith.andi %parallel_loop3A_129, %parallel_loop3A_132 : i1
        %parallel_loop3A_134 = arith.constant 1 : i32
        %parallel_loop3A_135 = arith.subi %parallel_loop3A_114, %parallel_loop3A_134 : i32
        %parallel_loop3A_136 = arith.select %parallel_loop3A_133, %parallel_loop3A_135, %parallel_loop3A_114 : i32
        %parallel_loop3A_137 = arith.constant 16 : i32
        %parallel_loop3A_138 = arith.constant 0 : i32
        %parallel_loop3A_139 = arith.cmpi eq, %parallel_loop3A_137, %parallel_loop3A_138 : i32
        %parallel_loop3A_140 = arith.constant 1 : i32
        %parallel_loop3A_141 = arith.select %parallel_loop3A_139, %parallel_loop3A_140, %parallel_loop3A_137 : i32
        %parallel_loop3A_142 = arith.remsi %parallel_loop3A_112, %parallel_loop3A_141 : i32
        %parallel_loop3A_143 = arith.constant 0 : i32
        %parallel_loop3A_144 = arith.cmpi ne, %parallel_loop3A_142, %parallel_loop3A_143 : i32
        %parallel_loop3A_145 = arith.constant 0 : i32
        %parallel_loop3A_146 = arith.cmpi slt, %parallel_loop3A_142, %parallel_loop3A_145 : i32
        %parallel_loop3A_147 = arith.constant 0 : i32
        %parallel_loop3A_148 = arith.cmpi slt, %parallel_loop3A_141, %parallel_loop3A_147 : i32
        %parallel_loop3A_149 = arith.xori %parallel_loop3A_146, %parallel_loop3A_148 : i1
        %parallel_loop3A_150 = arith.andi %parallel_loop3A_149, %parallel_loop3A_144 : i1
        %parallel_loop3A_151 = arith.addi %parallel_loop3A_142, %parallel_loop3A_141 : i32
        %parallel_loop3A_152 = arith.select %parallel_loop3A_150, %parallel_loop3A_151, %parallel_loop3A_142 : i32
        %parallel_loop3A_153 = arith.constant 16 : i32
        %parallel_loop3A_154 = arith.muli %parallel_loop3A_152, %parallel_loop3A_153 : i32
        %parallel_loop3A_155 = arith.constant 16 : i32
        %parallel_loop3A_156 = arith.muli %parallel_loop3A_136, %parallel_loop3A_155 : i32
        %parallel_loop3A_157 = arith.constant 0 : i32
        %parallel_loop3A_158 = arith.addi %parallel_loop3A_156, %parallel_loop3A_157 : i32
        %parallel_loop3A_159 = arith.index_cast %parallel_loop3A_158 : i32 to index
        %parallel_loop3A_160 = arith.index_cast %parallel_loop3A_154 : i32 to index
        %parallel_loop3A_161 = tpu.vector_load %arg6[%parallel_loop3A_159, %parallel_loop3A_160] {strides = array<i32>} : memref<128x256xf32, #tpu.memory_space<vmem>>, vector<1x16xf32>,
        %parallel_loop3A_162 = vector.shape_cast %parallel_loop3A_161 : vector<1x16xf32> to vector<16xf32>
        %parallel_loop3A_163 = arith.constant 1 : i32
        %parallel_loop3A_164 = arith.addi %parallel_loop3A_156, %parallel_loop3A_163 : i32
        %parallel_loop3A_165 = arith.index_cast %parallel_loop3A_164 : i32 to index
        %parallel_loop3A_166 = arith.index_cast %parallel_loop3A_154 : i32 to index
        %parallel_loop3A_167 = tpu.vector_load %arg6[%parallel_loop3A_165, %parallel_loop3A_166] {strides = array<i32>} : memref<128x256xf32, #tpu.memory_space<vmem>>, vector<1x16xf32>,
        %parallel_loop3A_168 = vector.shape_cast %parallel_loop3A_167 : vector<1x16xf32> to vector<16xf32>
        %parallel_loop3A_169 = arith.constant 2 : i32
        %parallel_loop3A_170 = arith.addi %parallel_loop3A_156, %parallel_loop3A_169 : i32
        %parallel_loop3A_171 = arith.index_cast %parallel_loop3A_170 : i32 to index
        %parallel_loop3A_172 = arith.index_cast %parallel_loop3A_154 : i32 to index
        %parallel_loop3A_173 = tpu.vector_load %arg6[%parallel_loop3A_171, %parallel_loop3A_172] {strides = array<i32>} : memref<128x256xf32, #tpu.memory_space<vmem>>, vector<1x16xf32>,
        %parallel_loop3A_174 = vector.shape_cast %parallel_loop3A_173 : vector<1x16xf32> to vector<16xf32>
        %parallel_loop3A_175 = arith.constant 3 : i32
        %parallel_loop3A_176 = arith.addi %parallel_loop3A_156, %parallel_loop3A_175 : i32
        %parallel_loop3A_177 = arith.index_cast %parallel_loop3A_176 : i32 to index
        %parallel_loop3A_178 = arith.index_cast %parallel_loop3A_154 : i32 to index
        %parallel_loop3A_179 = tpu.vector_load %arg6[%parallel_loop3A_177, %parallel_loop3A_178] {strides = array<i32>} : memref<128x256xf32, #tpu.memory_space<vmem>>, vector<1x16xf32>,
        %parallel_loop3A_180 = vector.shape_cast %parallel_loop3A_179 : vector<1x16xf32> to vector<16xf32>
        %parallel_loop3A_181 = arith.constant 4 : i32
        %parallel_loop3A_182 = arith.addi %parallel_loop3A_156, %parallel_loop3A_181 : i32
        %parallel_loop3A_183 = arith.index_cast %parallel_loop3A_182 : i32 to index
        %parallel_loop3A_184 = arith.index_cast %parallel_loop3A_154 : i32 to index
        %parallel_loop3A_185 = tpu.vector_load %arg6[%parallel_loop3A_183, %parallel_loop3A_184] {strides = array<i32>} : memref<128x256xf32, #tpu.memory_space<vmem>>, vector<1x16xf32>,
        %parallel_loop3A_186 = vector.shape_cast %parallel_loop3A_185 : vector<1x16xf32> to vector<16xf32>
        %parallel_loop3A_187 = arith.constant 5 : i32
        %parallel_loop3A_188 = arith.addi %parallel_loop3A_156, %parallel_loop3A_187 : i32
        %parallel_loop3A_189 = arith.index_cast %parallel_loop3A_188 : i32 to index
        %parallel_loop3A_190 = arith.index_cast %parallel_loop3A_154 : i32 to index
        %parallel_loop3A_191 = tpu.vector_load %arg6[%parallel_loop3A_189, %parallel_loop3A_190] {strides = array<i32>} : memref<128x256xf32, #tpu.memory_space<vmem>>, vector<1x16xf32>,
        %parallel_loop3A_192 = vector.shape_cast %parallel_loop3A_191 : vector<1x16xf32> to vector<16xf32>
        %parallel_loop3A_193 = arith.constant 6 : i32
        %parallel_loop3A_194 = arith.addi %parallel_loop3A_156, %parallel_loop3A_193 : i32
        %parallel_loop3A_195 = arith.index_cast %parallel_loop3A_194 : i32 to index
        %parallel_loop3A_196 = arith.index_cast %parallel_loop3A_154 : i32 to index
        %parallel_loop3A_197 = tpu.vector_load %arg6[%parallel_loop3A_195, %parallel_loop3A_196] {strides = array<i32>} : memref<128x256xf32, #tpu.memory_space<vmem>>, vector<1x16xf32>,
        %parallel_loop3A_198 = vector.shape_cast %parallel_loop3A_197 : vector<1x16xf32> to vector<16xf32>
        %parallel_loop3A_199 = arith.constant 7 : i32
        %parallel_loop3A_200 = arith.addi %parallel_loop3A_156, %parallel_loop3A_199 : i32
        %parallel_loop3A_201 = arith.index_cast %parallel_loop3A_200 : i32 to index
        %parallel_loop3A_202 = arith.index_cast %parallel_loop3A_154 : i32 to index
        %parallel_loop3A_203 = tpu.vector_load %arg6[%parallel_loop3A_201, %parallel_loop3A_202] {strides = array<i32>} : memref<128x256xf32, #tpu.memory_space<vmem>>, vector<1x16xf32>,
        %parallel_loop3A_204 = vector.shape_cast %parallel_loop3A_203 : vector<1x16xf32> to vector<16xf32>
        %parallel_loop3A_205 = arith.constant 8 : i32
        %parallel_loop3A_206 = arith.addi %parallel_loop3A_156, %parallel_loop3A_205 : i32
        %parallel_loop3A_207 = arith.index_cast %parallel_loop3A_206 : i32 to index
        %parallel_loop3A_208 = arith.index_cast %parallel_loop3A_154 : i32 to index
        %parallel_loop3A_209 = tpu.vector_load %arg6[%parallel_loop3A_207, %parallel_loop3A_208] {strides = array<i32>} : memref<128x256xf32, #tpu.memory_space<vmem>>, vector<1x16xf32>,
        %parallel_loop3A_210 = vector.shape_cast %parallel_loop3A_209 : vector<1x16xf32> to vector<16xf32>
        %parallel_loop3A_211 = arith.constant 9 : i32
        %parallel_loop3A_212 = arith.addi %parallel_loop3A_156, %parallel_loop3A_211 : i32
        %parallel_loop3A_213 = arith.index_cast %parallel_loop3A_212 : i32 to index
        %parallel_loop3A_214 = arith.index_cast %parallel_loop3A_154 : i32 to index
        %parallel_loop3A_215 = tpu.vector_load %arg6[%parallel_loop3A_213, %parallel_loop3A_214] {strides = array<i32>} : memref<128x256xf32, #tpu.memory_space<vmem>>, vector<1x16xf32>,
        %parallel_loop3A_216 = vector.shape_cast %parallel_loop3A_215 : vector<1x16xf32> to vector<16xf32>
        %parallel_loop3A_217 = arith.constant 10 : i32
        %parallel_loop3A_218 = arith.addi %parallel_loop3A_156, %parallel_loop3A_217 : i32
        %parallel_loop3A_219 = arith.index_cast %parallel_loop3A_218 : i32 to index
        %parallel_loop3A_220 = arith.index_cast %parallel_loop3A_154 : i32 to index
        %parallel_loop3A_221 = tpu.vector_load %arg6[%parallel_loop3A_219, %parallel_loop3A_220] {strides = array<i32>} : memref<128x256xf32, #tpu.memory_space<vmem>>, vector<1x16xf32>,
        %parallel_loop3A_222 = vector.shape_cast %parallel_loop3A_221 : vector<1x16xf32> to vector<16xf32>
        %parallel_loop3A_223 = arith.constant 11 : i32
        %parallel_loop3A_224 = arith.addi %parallel_loop3A_156, %parallel_loop3A_223 : i32
        %parallel_loop3A_225 = arith.index_cast %parallel_loop3A_224 : i32 to index
        %parallel_loop3A_226 = arith.index_cast %parallel_loop3A_154 : i32 to index
        %parallel_loop3A_227 = tpu.vector_load %arg6[%parallel_loop3A_225, %parallel_loop3A_226] {strides = array<i32>} : memref<128x256xf32, #tpu.memory_space<vmem>>, vector<1x16xf32>,
        %parallel_loop3A_228 = vector.shape_cast %parallel_loop3A_227 : vector<1x16xf32> to vector<16xf32>
        %parallel_loop3A_229 = arith.constant 12 : i32
        %parallel_loop3A_230 = arith.addi %parallel_loop3A_156, %parallel_loop3A_229 : i32
        %parallel_loop3A_231 = arith.index_cast %parallel_loop3A_230 : i32 to index
        %parallel_loop3A_232 = arith.index_cast %parallel_loop3A_154 : i32 to index
        %parallel_loop3A_233 = tpu.vector_load %arg6[%parallel_loop3A_231, %parallel_loop3A_232] {strides = array<i32>} : memref<128x256xf32, #tpu.memory_space<vmem>>, vector<1x16xf32>,
        %parallel_loop3A_234 = vector.shape_cast %parallel_loop3A_233 : vector<1x16xf32> to vector<16xf32>
        %parallel_loop3A_235 = arith.constant 13 : i32
        %parallel_loop3A_236 = arith.addi %parallel_loop3A_156, %parallel_loop3A_235 : i32
        %parallel_loop3A_237 = arith.index_cast %parallel_loop3A_236 : i32 to index
        %parallel_loop3A_238 = arith.index_cast %parallel_loop3A_154 : i32 to index
        %parallel_loop3A_239 = tpu.vector_load %arg6[%parallel_loop3A_237, %parallel_loop3A_238] {strides = array<i32>} : memref<128x256xf32, #tpu.memory_space<vmem>>, vector<1x16xf32>,
        %parallel_loop3A_240 = vector.shape_cast %parallel_loop3A_239 : vector<1x16xf32> to vector<16xf32>
        %parallel_loop3A_241 = arith.constant 14 : i32
        %parallel_loop3A_242 = arith.addi %parallel_loop3A_156, %parallel_loop3A_241 : i32
        %parallel_loop3A_243 = arith.index_cast %parallel_loop3A_242 : i32 to index
        %parallel_loop3A_244 = arith.index_cast %parallel_loop3A_154 : i32 to index
        %parallel_loop3A_245 = tpu.vector_load %arg6[%parallel_loop3A_243, %parallel_loop3A_244] {strides = array<i32>} : memref<128x256xf32, #tpu.memory_space<vmem>>, vector<1x16xf32>,
        %parallel_loop3A_246 = vector.shape_cast %parallel_loop3A_245 : vector<1x16xf32> to vector<16xf32>
        %parallel_loop3A_247 = arith.constant 15 : i32
        %parallel_loop3A_248 = arith.addi %parallel_loop3A_156, %parallel_loop3A_247 : i32
        %parallel_loop3A_249 = arith.index_cast %parallel_loop3A_248 : i32 to index
        %parallel_loop3A_250 = arith.index_cast %parallel_loop3A_154 : i32 to index
        %parallel_loop3A_251 = tpu.vector_load %arg6[%parallel_loop3A_249, %parallel_loop3A_250] {strides = array<i32>} : memref<128x256xf32, #tpu.memory_space<vmem>>, vector<1x16xf32>,
        %parallel_loop3A_252 = vector.shape_cast %parallel_loop3A_251 : vector<1x16xf32> to vector<16xf32>
        %parallel_loop3A_253 = arith.addf %parallel_loop3A_162, %parallel_loop3A_168 : vector<16xf32>
        %parallel_loop3A_254 = arith.addf %parallel_loop3A_174, %parallel_loop3A_180 : vector<16xf32>
        %parallel_loop3A_255 = arith.addf %parallel_loop3A_186, %parallel_loop3A_192 : vector<16xf32>
        %parallel_loop3A_256 = arith.addf %parallel_loop3A_198, %parallel_loop3A_204 : vector<16xf32>
        %parallel_loop3A_257 = arith.addf %parallel_loop3A_210, %parallel_loop3A_216 : vector<16xf32>
        %parallel_loop3A_258 = arith.addf %parallel_loop3A_222, %parallel_loop3A_228 : vector<16xf32>
        %parallel_loop3A_259 = arith.addf %parallel_loop3A_234, %parallel_loop3A_240 : vector<16xf32>
        %parallel_loop3A_260 = arith.addf %parallel_loop3A_246, %parallel_loop3A_252 : vector<16xf32>
        %parallel_loop3A_261 = arith.addf %parallel_loop3A_253, %parallel_loop3A_254 : vector<16xf32>
        %parallel_loop3A_262 = arith.addf %parallel_loop3A_255, %parallel_loop3A_256 : vector<16xf32>
        %parallel_loop3A_263 = arith.addf %parallel_loop3A_257, %parallel_loop3A_258 : vector<16xf32>
        %parallel_loop3A_264 = arith.addf %parallel_loop3A_259, %parallel_loop3A_260 : vector<16xf32>
        %parallel_loop3A_265 = arith.addf %parallel_loop3A_261, %parallel_loop3A_262 : vector<16xf32>
        %parallel_loop3A_266 = arith.addf %parallel_loop3A_263, %parallel_loop3A_264 : vector<16xf32>
        %parallel_loop3A_267 = arith.addf %parallel_loop3A_265, %parallel_loop3A_266 : vector<16xf32>
        %parallel_loop3A_268 = arith.constant 0 : i32
        %parallel_loop3A_269 = arith.addi %parallel_loop3A_268, %parallel_loop3A_136 : i32
        %parallel_loop3A_270 = arith.index_cast %parallel_loop3A_269 : i32 to index
        %parallel_loop3A_271 = arith.index_cast %parallel_loop3A_154 : i32 to index
        %parallel_loop3A_272 = tpu.vector_load %arg8[%parallel_loop3A_270, %parallel_loop3A_271] {strides = array<i32>} : memref<16x256xf32, #tpu.memory_space<vmem>>, vector<1x16xf32>,
        %parallel_loop3A_273 = vector.shape_cast %parallel_loop3A_272 : vector<1x16xf32> to vector<16xf32>
        %parallel_loop3A_274 = vector.shape_cast %parallel_loop3A_267 : vector<16xf32> to vector<1x16xf32>
        tpu.vector_store %arg8[%parallel_loop3A_270, %parallel_loop3A_271], %parallel_loop3A_274 {strides = array<i32>} : memref<16x256xf32, #tpu.memory_space<vmem>>, vector<1x16xf32>,
      } {sc.loop_unroll_factor = 1 : i64, sc.parallel_access}
      %add3A_81 = arith.constant 2 : i32
      %add3A_82 = arith.addi %add3A_72, %add3A_81 : i32
      %lt3A = arith.cmpi slt, %add3A_82, %select_n3A_6 : i32
      %convert_element_type3A_83 = arith.extui %lt3A : i1 to i32
      %cond3A_84 = arith.constant 0 : i32
      %cond3A_85 = arith.cmpi ne, %convert_element_type3A_83, %cond3A_84 : i32
      scf.if %cond3A_85 {
        %add3A_112 = arith.constant 2 : i32
        %add3A_113 = arith.addi %add3A_72, %add3A_112 : i32
        %mul3A_114 = arith.constant 128 : i32
        %mul3A_115 = arith.muli %add3A_113, %mul3A_114 : i32
        %dma_start3A_116 = tpu.memref_slice %arg5[%mul3A_115] : memref<4864xi32, #tpu.memory_space<vmem>> -> memref<128xi32, #tpu.memory_space<vmem>>
        %dma_start3A_117 = arith.constant 0 : i32
        %dma_start3A_118 = arith.constant 0 : i32
        %dma_start3A_119 = tpu.memref_slice %arg2[%dma_start3A_117, %dma_start3A_118] : memref<10000x256xf32, #tpu.memory_space<hbm>> -> memref<10000x256xf32, #tpu.memory_space<hbm>>
        tpu.enqueue_indirect_dma source(%dma_start3A_119 : memref<10000x256xf32, #tpu.memory_space<hbm>>) target(%arg6 : memref<128x256xf32, #tpu.memory_space<vmem>>) offsets(%dma_start3A_116 : memref<128xi32, #tpu.memory_space<vmem>>) semaphore(%arg9 : memref<!tpu.dma_semaphore, #tpu.memory_space<semaphore_mem>>)
      } else {
      }
      %mul3A_86 = arith.constant 2 : i32
      %mul3A_87 = arith.muli %mul3A_86, %add3A_64 : i32
      %add3A_88 = arith.constant 1 : i32
      %add3A_89 = arith.addi %mul3A_87, %add3A_88 : i32
      %mul3A_90 = arith.constant 128 : i32
      %mul3A_91 = arith.muli %add3A_89, %mul3A_90 : i32
      %dma_wait3A_92 = tpu.memref_slice %arg5[%mul3A_91] : memref<4864xi32, #tpu.memory_space<vmem>> -> memref<128xi32, #tpu.memory_space<vmem>>
      %dma_wait3A_93 = arith.constant 0 : i32
      %dma_wait3A_94 = arith.constant 0 : i32
      %dma_wait3A_95 = tpu.memref_slice %arg2[%dma_wait3A_93, %dma_wait3A_94] : memref<10000x256xf32, #tpu.memory_space<hbm>> -> memref<10000x256xf32, #tpu.memory_space<hbm>>
      tpu.wait_indirect_dma semaphore(%arg10 : memref<!tpu.dma_semaphore, #tpu.memory_space<semaphore_mem>>) src(%dma_wait3A_95 : memref<10000x256xf32, #tpu.memory_space<hbm>>) dst(%arg7 : memref<128x256xf32, #tpu.memory_space<vmem>>)
      %parallel_loop3A_96 = arith.constant 0 : i32
      %parallel_loop3A_97 = arith.constant 128 : i32
      %parallel_loop3A_98 = arith.constant 1 : i32
      scf.for %parallel_loop3A_112 = %parallel_loop3A_96 to %parallel_loop3A_97 step %parallel_loop3A_98  : i32 {
        %parallel_loop3A_113 = arith.constant 16 : i32
        %parallel_loop3A_114 = arith.divsi %parallel_loop3A_112, %parallel_loop3A_113 : i32
        %parallel_loop3A_115 = arith.constant 0 : i32
        %parallel_loop3A_116 = arith.cmpi sgt, %parallel_loop3A_112, %parallel_loop3A_115 : i32
        %parallel_loop3A_117 = arith.extui %parallel_loop3A_116 : i1 to i32
        %parallel_loop3A_118 = arith.constant 0 : i32
        %parallel_loop3A_119 = arith.cmpi slt, %parallel_loop3A_112, %parallel_loop3A_118 : i32
        %parallel_loop3A_120 = arith.extui %parallel_loop3A_119 : i1 to i32
        %parallel_loop3A_121 = arith.subi %parallel_loop3A_117, %parallel_loop3A_120 : i32
        %parallel_loop3A_122 = arith.constant 0 : i32
        %parallel_loop3A_123 = arith.cmpi sgt, %parallel_loop3A_113, %parallel_loop3A_122 : i32
        %parallel_loop3A_124 = arith.extui %parallel_loop3A_123 : i1 to i32
        %parallel_loop3A_125 = arith.constant 0 : i32
        %parallel_loop3A_126 = arith.cmpi slt, %parallel_loop3A_113, %parallel_loop3A_125 : i32
        %parallel_loop3A_127 = arith.extui %parallel_loop3A_126 : i1 to i32
        %parallel_loop3A_128 = arith.subi %parallel_loop3A_124, %parallel_loop3A_127 : i32
        %parallel_loop3A_129 = arith.cmpi ne, %parallel_loop3A_121, %parallel_loop3A_128 : i32
        %parallel_loop3A_130 = arith.remsi %parallel_loop3A_112, %parallel_loop3A_113 : i32
        %parallel_loop3A_131 = arith.constant 0 : i32
        %parallel_loop3A_132 = arith.cmpi ne, %parallel_loop3A_130, %parallel_loop3A_131 : i32
        %parallel_loop3A_133 = arith.andi %parallel_loop3A_129, %parallel_loop3A_132 : i1
        %parallel_loop3A_134 = arith.constant 1 : i32
        %parallel_loop3A_135 = arith.subi %parallel_loop3A_114, %parallel_loop3A_134 : i32
        %parallel_loop3A_136 = arith.select %parallel_loop3A_133, %parallel_loop3A_135, %parallel_loop3A_114 : i32
        %parallel_loop3A_137 = arith.constant 16 : i32
        %parallel_loop3A_138 = arith.constant 0 : i32
        %parallel_loop3A_139 = arith.cmpi eq, %parallel_loop3A_137, %parallel_loop3A_138 : i32
        %parallel_loop3A_140 = arith.constant 1 : i32
        %parallel_loop3A_141 = arith.select %parallel_loop3A_139, %parallel_loop3A_140, %parallel_loop3A_137 : i32
        %parallel_loop3A_142 = arith.remsi %parallel_loop3A_112, %parallel_loop3A_141 : i32
        %parallel_loop3A_143 = arith.constant 0 : i32
        %parallel_loop3A_144 = arith.cmpi ne, %parallel_loop3A_142, %parallel_loop3A_143 : i32
        %parallel_loop3A_145 = arith.constant 0 : i32
        %parallel_loop3A_146 = arith.cmpi slt, %parallel_loop3A_142, %parallel_loop3A_145 : i32
        %parallel_loop3A_147 = arith.constant 0 : i32
        %parallel_loop3A_148 = arith.cmpi slt, %parallel_loop3A_141, %parallel_loop3A_147 : i32
        %parallel_loop3A_149 = arith.xori %parallel_loop3A_146, %parallel_loop3A_148 : i1
        %parallel_loop3A_150 = arith.andi %parallel_loop3A_149, %parallel_loop3A_144 : i1
        %parallel_loop3A_151 = arith.addi %parallel_loop3A_142, %parallel_loop3A_141 : i32
        %parallel_loop3A_152 = arith.select %parallel_loop3A_150, %parallel_loop3A_151, %parallel_loop3A_142 : i32
        %parallel_loop3A_153 = arith.constant 16 : i32
        %parallel_loop3A_154 = arith.muli %parallel_loop3A_152, %parallel_loop3A_153 : i32
        %parallel_loop3A_155 = arith.constant 16 : i32
        %parallel_loop3A_156 = arith.muli %parallel_loop3A_136, %parallel_loop3A_155 : i32
        %parallel_loop3A_157 = arith.constant 0 : i32
        %parallel_loop3A_158 = arith.addi %parallel_loop3A_156, %parallel_loop3A_157 : i32
        %parallel_loop3A_159 = arith.index_cast %parallel_loop3A_158 : i32 to index
        %parallel_loop3A_160 = arith.index_cast %parallel_loop3A_154 : i32 to index
        %parallel_loop3A_161 = tpu.vector_load %arg7[%parallel_loop3A_159, %parallel_loop3A_160] {strides = array<i32>} : memref<128x256xf32, #tpu.memory_space<vmem>>, vector<1x16xf32>,
        %parallel_loop3A_162 = vector.shape_cast %parallel_loop3A_161 : vector<1x16xf32> to vector<16xf32>
        %parallel_loop3A_163 = arith.constant 1 : i32
        %parallel_loop3A_164 = arith.addi %parallel_loop3A_156, %parallel_loop3A_163 : i32
        %parallel_loop3A_165 = arith.index_cast %parallel_loop3A_164 : i32 to index
        %parallel_loop3A_166 = arith.index_cast %parallel_loop3A_154 : i32 to index
        %parallel_loop3A_167 = tpu.vector_load %arg7[%parallel_loop3A_165, %parallel_loop3A_166] {strides = array<i32>} : memref<128x256xf32, #tpu.memory_space<vmem>>, vector<1x16xf32>,
        %parallel_loop3A_168 = vector.shape_cast %parallel_loop3A_167 : vector<1x16xf32> to vector<16xf32>
        %parallel_loop3A_169 = arith.constant 2 : i32
        %parallel_loop3A_170 = arith.addi %parallel_loop3A_156, %parallel_loop3A_169 : i32
        %parallel_loop3A_171 = arith.index_cast %parallel_loop3A_170 : i32 to index
        %parallel_loop3A_172 = arith.index_cast %parallel_loop3A_154 : i32 to index
        %parallel_loop3A_173 = tpu.vector_load %arg7[%parallel_loop3A_171, %parallel_loop3A_172] {strides = array<i32>} : memref<128x256xf32, #tpu.memory_space<vmem>>, vector<1x16xf32>,
        %parallel_loop3A_174 = vector.shape_cast %parallel_loop3A_173 : vector<1x16xf32> to vector<16xf32>
        %parallel_loop3A_175 = arith.constant 3 : i32
        %parallel_loop3A_176 = arith.addi %parallel_loop3A_156, %parallel_loop3A_175 : i32
        %parallel_loop3A_177 = arith.index_cast %parallel_loop3A_176 : i32 to index
        %parallel_loop3A_178 = arith.index_cast %parallel_loop3A_154 : i32 to index
        %parallel_loop3A_179 = tpu.vector_load %arg7[%parallel_loop3A_177, %parallel_loop3A_178] {strides = array<i32>} : memref<128x256xf32, #tpu.memory_space<vmem>>, vector<1x16xf32>,
        %parallel_loop3A_180 = vector.shape_cast %parallel_loop3A_179 : vector<1x16xf32> to vector<16xf32>
        %parallel_loop3A_181 = arith.constant 4 : i32
        %parallel_loop3A_182 = arith.addi %parallel_loop3A_156, %parallel_loop3A_181 : i32
        %parallel_loop3A_183 = arith.index_cast %parallel_loop3A_182 : i32 to index
        %parallel_loop3A_184 = arith.index_cast %parallel_loop3A_154 : i32 to index
        %parallel_loop3A_185 = tpu.vector_load %arg7[%parallel_loop3A_183, %parallel_loop3A_184] {strides = array<i32>} : memref<128x256xf32, #tpu.memory_space<vmem>>, vector<1x16xf32>,
        %parallel_loop3A_186 = vector.shape_cast %parallel_loop3A_185 : vector<1x16xf32> to vector<16xf32>
        %parallel_loop3A_187 = arith.constant 5 : i32
        %parallel_loop3A_188 = arith.addi %parallel_loop3A_156, %parallel_loop3A_187 : i32
        %parallel_loop3A_189 = arith.index_cast %parallel_loop3A_188 : i32 to index
        %parallel_loop3A_190 = arith.index_cast %parallel_loop3A_154 : i32 to index
        %parallel_loop3A_191 = tpu.vector_load %arg7[%parallel_loop3A_189, %parallel_loop3A_190] {strides = array<i32>} : memref<128x256xf32, #tpu.memory_space<vmem>>, vector<1x16xf32>,
        %parallel_loop3A_192 = vector.shape_cast %parallel_loop3A_191 : vector<1x16xf32> to vector<16xf32>
        %parallel_loop3A_193 = arith.constant 6 : i32
        %parallel_loop3A_194 = arith.addi %parallel_loop3A_156, %parallel_loop3A_193 : i32
        %parallel_loop3A_195 = arith.index_cast %parallel_loop3A_194 : i32 to index
        %parallel_loop3A_196 = arith.index_cast %parallel_loop3A_154 : i32 to index
        %parallel_loop3A_197 = tpu.vector_load %arg7[%parallel_loop3A_195, %parallel_loop3A_196] {strides = array<i32>} : memref<128x256xf32, #tpu.memory_space<vmem>>, vector<1x16xf32>,
        %parallel_loop3A_198 = vector.shape_cast %parallel_loop3A_197 : vector<1x16xf32> to vector<16xf32>
        %parallel_loop3A_199 = arith.constant 7 : i32
        %parallel_loop3A_200 = arith.addi %parallel_loop3A_156, %parallel_loop3A_199 : i32
        %parallel_loop3A_201 = arith.index_cast %parallel_loop3A_200 : i32 to index
        %parallel_loop3A_202 = arith.index_cast %parallel_loop3A_154 : i32 to index
        %parallel_loop3A_203 = tpu.vector_load %arg7[%parallel_loop3A_201, %parallel_loop3A_202] {strides = array<i32>} : memref<128x256xf32, #tpu.memory_space<vmem>>, vector<1x16xf32>,
        %parallel_loop3A_204 = vector.shape_cast %parallel_loop3A_203 : vector<1x16xf32> to vector<16xf32>
        %parallel_loop3A_205 = arith.constant 8 : i32
        %parallel_loop3A_206 = arith.addi %parallel_loop3A_156, %parallel_loop3A_205 : i32
        %parallel_loop3A_207 = arith.index_cast %parallel_loop3A_206 : i32 to index
        %parallel_loop3A_208 = arith.index_cast %parallel_loop3A_154 : i32 to index
        %parallel_loop3A_209 = tpu.vector_load %arg7[%parallel_loop3A_207, %parallel_loop3A_208] {strides = array<i32>} : memref<128x256xf32, #tpu.memory_space<vmem>>, vector<1x16xf32>,
        %parallel_loop3A_210 = vector.shape_cast %parallel_loop3A_209 : vector<1x16xf32> to vector<16xf32>
        %parallel_loop3A_211 = arith.constant 9 : i32
        %parallel_loop3A_212 = arith.addi %parallel_loop3A_156, %parallel_loop3A_211 : i32
        %parallel_loop3A_213 = arith.index_cast %parallel_loop3A_212 : i32 to index
        %parallel_loop3A_214 = arith.index_cast %parallel_loop3A_154 : i32 to index
        %parallel_loop3A_215 = tpu.vector_load %arg7[%parallel_loop3A_213, %parallel_loop3A_214] {strides = array<i32>} : memref<128x256xf32, #tpu.memory_space<vmem>>, vector<1x16xf32>,
        %parallel_loop3A_216 = vector.shape_cast %parallel_loop3A_215 : vector<1x16xf32> to vector<16xf32>
        %parallel_loop3A_217 = arith.constant 10 : i32
        %parallel_loop3A_218 = arith.addi %parallel_loop3A_156, %parallel_loop3A_217 : i32
        %parallel_loop3A_219 = arith.index_cast %parallel_loop3A_218 : i32 to index
        %parallel_loop3A_220 = arith.index_cast %parallel_loop3A_154 : i32 to index
        %parallel_loop3A_221 = tpu.vector_load %arg7[%parallel_loop3A_219, %parallel_loop3A_220] {strides = array<i32>} : memref<128x256xf32, #tpu.memory_space<vmem>>, vector<1x16xf32>,
        %parallel_loop3A_222 = vector.shape_cast %parallel_loop3A_221 : vector<1x16xf32> to vector<16xf32>
        %parallel_loop3A_223 = arith.constant 11 : i32
        %parallel_loop3A_224 = arith.addi %parallel_loop3A_156, %parallel_loop3A_223 : i32
        %parallel_loop3A_225 = arith.index_cast %parallel_loop3A_224 : i32 to index
        %parallel_loop3A_226 = arith.index_cast %parallel_loop3A_154 : i32 to index
        %parallel_loop3A_227 = tpu.vector_load %arg7[%parallel_loop3A_225, %parallel_loop3A_226] {strides = array<i32>} : memref<128x256xf32, #tpu.memory_space<vmem>>, vector<1x16xf32>,
        %parallel_loop3A_228 = vector.shape_cast %parallel_loop3A_227 : vector<1x16xf32> to vector<16xf32>
        %parallel_loop3A_229 = arith.constant 12 : i32
        %parallel_loop3A_230 = arith.addi %parallel_loop3A_156, %parallel_loop3A_229 : i32
        %parallel_loop3A_231 = arith.index_cast %parallel_loop3A_230 : i32 to index
        %parallel_loop3A_232 = arith.index_cast %parallel_loop3A_154 : i32 to index
        %parallel_loop3A_233 = tpu.vector_load %arg7[%parallel_loop3A_231, %parallel_loop3A_232] {strides = array<i32>} : memref<128x256xf32, #tpu.memory_space<vmem>>, vector<1x16xf32>,
        %parallel_loop3A_234 = vector.shape_cast %parallel_loop3A_233 : vector<1x16xf32> to vector<16xf32>
        %parallel_loop3A_235 = arith.constant 13 : i32
        %parallel_loop3A_236 = arith.addi %parallel_loop3A_156, %parallel_loop3A_235 : i32
        %parallel_loop3A_237 = arith.index_cast %parallel_loop3A_236 : i32 to index
        %parallel_loop3A_238 = arith.index_cast %parallel_loop3A_154 : i32 to index
        %parallel_loop3A_239 = tpu.vector_load %arg7[%parallel_loop3A_237, %parallel_loop3A_238] {strides = array<i32>} : memref<128x256xf32, #tpu.memory_space<vmem>>, vector<1x16xf32>,
        %parallel_loop3A_240 = vector.shape_cast %parallel_loop3A_239 : vector<1x16xf32> to vector<16xf32>
        %parallel_loop3A_241 = arith.constant 14 : i32
        %parallel_loop3A_242 = arith.addi %parallel_loop3A_156, %parallel_loop3A_241 : i32
        %parallel_loop3A_243 = arith.index_cast %parallel_loop3A_242 : i32 to index
        %parallel_loop3A_244 = arith.index_cast %parallel_loop3A_154 : i32 to index
        %parallel_loop3A_245 = tpu.vector_load %arg7[%parallel_loop3A_243, %parallel_loop3A_244] {strides = array<i32>} : memref<128x256xf32, #tpu.memory_space<vmem>>, vector<1x16xf32>,
        %parallel_loop3A_246 = vector.shape_cast %parallel_loop3A_245 : vector<1x16xf32> to vector<16xf32>
        %parallel_loop3A_247 = arith.constant 15 : i32
        %parallel_loop3A_248 = arith.addi %parallel_loop3A_156, %parallel_loop3A_247 : i32
        %parallel_loop3A_249 = arith.index_cast %parallel_loop3A_248 : i32 to index
        %parallel_loop3A_250 = arith.index_cast %parallel_loop3A_154 : i32 to index
        %parallel_loop3A_251 = tpu.vector_load %arg7[%parallel_loop3A_249, %parallel_loop3A_250] {strides = array<i32>} : memref<128x256xf32, #tpu.memory_space<vmem>>, vector<1x16xf32>,
        %parallel_loop3A_252 = vector.shape_cast %parallel_loop3A_251 : vector<1x16xf32> to vector<16xf32>
        %parallel_loop3A_253 = arith.addf %parallel_loop3A_162, %parallel_loop3A_168 : vector<16xf32>
        %parallel_loop3A_254 = arith.addf %parallel_loop3A_174, %parallel_loop3A_180 : vector<16xf32>
        %parallel_loop3A_255 = arith.addf %parallel_loop3A_186, %parallel_loop3A_192 : vector<16xf32>
        %parallel_loop3A_256 = arith.addf %parallel_loop3A_198, %parallel_loop3A_204 : vector<16xf32>
        %parallel_loop3A_257 = arith.addf %parallel_loop3A_210, %parallel_loop3A_216 : vector<16xf32>
        %parallel_loop3A_258 = arith.addf %parallel_loop3A_222, %parallel_loop3A_228 : vector<16xf32>
        %parallel_loop3A_259 = arith.addf %parallel_loop3A_234, %parallel_loop3A_240 : vector<16xf32>
        %parallel_loop3A_260 = arith.addf %parallel_loop3A_246, %parallel_loop3A_252 : vector<16xf32>
        %parallel_loop3A_261 = arith.addf %parallel_loop3A_253, %parallel_loop3A_254 : vector<16xf32>
        %parallel_loop3A_262 = arith.addf %parallel_loop3A_255, %parallel_loop3A_256 : vector<16xf32>
        %parallel_loop3A_263 = arith.addf %parallel_loop3A_257, %parallel_loop3A_258 : vector<16xf32>
        %parallel_loop3A_264 = arith.addf %parallel_loop3A_259, %parallel_loop3A_260 : vector<16xf32>
        %parallel_loop3A_265 = arith.addf %parallel_loop3A_261, %parallel_loop3A_262 : vector<16xf32>
        %parallel_loop3A_266 = arith.addf %parallel_loop3A_263, %parallel_loop3A_264 : vector<16xf32>
        %parallel_loop3A_267 = arith.addf %parallel_loop3A_265, %parallel_loop3A_266 : vector<16xf32>
        %parallel_loop3A_268 = arith.constant 8 : i32
        %parallel_loop3A_269 = arith.addi %parallel_loop3A_268, %parallel_loop3A_136 : i32
        %parallel_loop3A_270 = arith.index_cast %parallel_loop3A_269 : i32 to index
        %parallel_loop3A_271 = arith.index_cast %parallel_loop3A_154 : i32 to index
        %parallel_loop3A_272 = tpu.vector_load %arg8[%parallel_loop3A_270, %parallel_loop3A_271] {strides = array<i32>} : memref<16x256xf32, #tpu.memory_space<vmem>>, vector<1x16xf32>,
        %parallel_loop3A_273 = vector.shape_cast %parallel_loop3A_272 : vector<1x16xf32> to vector<16xf32>
        %parallel_loop3A_274 = vector.shape_cast %parallel_loop3A_267 : vector<16xf32> to vector<1x16xf32>
        tpu.vector_store %arg8[%parallel_loop3A_270, %parallel_loop3A_271], %parallel_loop3A_274 {strides = array<i32>} : memref<16x256xf32, #tpu.memory_space<vmem>>, vector<1x16xf32>,
      } {sc.loop_unroll_factor = 1 : i64, sc.parallel_access}
      %add3A_99 = arith.constant 2 : i32
      %add3A_100 = arith.addi %add3A_89, %add3A_99 : i32
      %lt3A_101 = arith.cmpi slt, %add3A_100, %select_n3A_6 : i32
      %convert_element_type3A_102 = arith.extui %lt3A_101 : i1 to i32
      %cond3A_103 = arith.constant 0 : i32
      %cond3A_104 = arith.cmpi ne, %convert_element_type3A_102, %cond3A_103 : i32
      scf.if %cond3A_104 {
        %add3A_112 = arith.constant 2 : i32
        %add3A_113 = arith.addi %add3A_89, %add3A_112 : i32
        %mul3A_114 = arith.constant 128 : i32
        %mul3A_115 = arith.muli %add3A_113, %mul3A_114 : i32
        %dma_start3A_116 = tpu.memref_slice %arg5[%mul3A_115] : memref<4864xi32, #tpu.memory_space<vmem>> -> memref<128xi32, #tpu.memory_space<vmem>>
        %dma_start3A_117 = arith.constant 0 : i32
        %dma_start3A_118 = arith.constant 0 : i32
        %dma_start3A_119 = tpu.memref_slice %arg2[%dma_start3A_117, %dma_start3A_118] : memref<10000x256xf32, #tpu.memory_space<hbm>> -> memref<10000x256xf32, #tpu.memory_space<hbm>>
        tpu.enqueue_indirect_dma source(%dma_start3A_119 : memref<10000x256xf32, #tpu.memory_space<hbm>>) target(%arg7 : memref<128x256xf32, #tpu.memory_space<vmem>>) offsets(%dma_start3A_116 : memref<128xi32, #tpu.memory_space<vmem>>) semaphore(%arg10 : memref<!tpu.dma_semaphore, #tpu.memory_space<semaphore_mem>>)
      } else {
      }
      %mul3A_105 = arith.constant 16 : i32
      %mul3A_106 = arith.muli %add3A_64, %mul3A_105 : i32
      %add3A_107 = arith.addi %select_n3A, %mul3A_106 : i32
      %dma_start3A_108 = arith.constant 0 : i32
      %dma_start3A_109 = tpu.memref_slice %arg4[%add3A_107, %dma_start3A_108] : memref<6144x256xf32, #tpu.memory_space<hbm>> -> memref<16x256xf32, #tpu.memory_space<hbm>>
      %dma_start3A_110 = arith.constant 0 : i32
      %dma_start3A_111 = tpu.memref_slice %arg4[%add3A_107, %dma_start3A_110] : memref<6144x256xf32, #tpu.memory_space<hbm>> -> memref<16x256xf32, #tpu.memory_space<hbm>>
      tpu.enqueue_dma source(%arg8 : memref<16x256xf32, #tpu.memory_space<vmem>>) target(%dma_start3A_111 : memref<16x256xf32, #tpu.memory_space<hbm>>) target_semaphore(%arg11 : memref<!tpu.dma_semaphore, #tpu.memory_space<semaphore_mem>>)
    }
    %dma_wait3A = arith.constant 0 : i32
    %dma_wait3A_57 = arith.constant 0 : i32
    %dma_wait3A_58 = tpu.memref_slice %arg4[%dma_wait3A, %dma_wait3A_57] : memref<6144x256xf32, #tpu.memory_space<hbm>> -> memref<16x256xf32, #tpu.memory_space<hbm>>
    %dma_wait3A_59 = arith.constant 0 : i32
    %dma_wait3A_60 = arith.constant 0 : i32
    %dma_wait3A_61 = tpu.memref_slice %arg4[%dma_wait3A_59, %dma_wait3A_60] : memref<6144x256xf32, #tpu.memory_space<hbm>> -> memref<16x256xf32, #tpu.memory_space<hbm>>
    tpu.wait_dma2 semaphore(%arg11 : memref<!tpu.dma_semaphore, #tpu.memory_space<semaphore_mem>>) src(%arg8 : memref<16x256xf32, #tpu.memory_space<vmem>>) dst(%dma_wait3A_61 : memref<16x256xf32, #tpu.memory_space<hbm>>)
    return
  }
}

module attributes {stable_mosaic.version = 14 : i64} {
  func.func @_tc_gather_body(%arg0: i32, %arg1: memref<200x16xi32, #tpu.memory_space<smem>>, %arg2: memref<10000x256xf32, #tpu.memory_space<vmem>>, %arg3: memref<200x256xf32, #tpu.memory_space<vmem>>) attributes {dimension_semantics = [#tpu.dimension_semantics<arbitrary>], iteration_bounds = array<i64: 20>, scalar_prefetch = 0 : i64, scratch_operands = 0 : i64, tpu.core_type = #tpu.core_type<tc>, window_params = [{transform_indices = @transform_0, window_bounds = array<i64: 200, 16>}, {pipeline_mode = #tpu.pipeline_mode<synchronous>, transform_indices = @transform_1, window_bounds = array<i64: 10000, 256>}, {transform_indices = @transform_2, window_bounds = array<i64: 200, 256>}]} {
    %scan3A = arith.constant 0 : i32
    %scan3A_0 = arith.constant 200 : i32
    %scan3A_1 = arith.addi %scan3A, %scan3A_0 : i32
    %scan3A_2 = arith.constant 1 : i32
    scf.for %scan3A_4 = %scan3A to %scan3A_1 step %scan3A_2  : i32 {
      %get3A = arith.index_cast %scan3A_4 : i32 to index
      %get3A_5 = arith.constant 0 : index
      %get3A_6 = memref.load %arg1[%get3A, %get3A_5] : memref<200x16xi32, #tpu.memory_space<smem>>
      %get3A_7 = arith.index_cast %get3A_6 : i32 to index
      %get3A_8 = arith.constant 0 : index
      %get3A_9 = vector.load %arg2[%get3A_7, %get3A_8] : memref<10000x256xf32, #tpu.memory_space<vmem>>, vector<1x256xf32>
      %get3A_10 = arith.index_cast %scan3A_4 : i32 to index
      %get3A_11 = arith.constant 1 : index
      %get3A_12 = memref.load %arg1[%get3A_10, %get3A_11] : memref<200x16xi32, #tpu.memory_space<smem>>
      %get3A_13 = arith.index_cast %get3A_12 : i32 to index
      %get3A_14 = arith.constant 0 : index
      %get3A_15 = vector.load %arg2[%get3A_13, %get3A_14] : memref<10000x256xf32, #tpu.memory_space<vmem>>, vector<1x256xf32>
      %add3A = arith.addf %get3A_9, %get3A_15 : vector<1x256xf32>
      %get3A_16 = arith.index_cast %scan3A_4 : i32 to index
      %get3A_17 = arith.constant 2 : index
      %get3A_18 = memref.load %arg1[%get3A_16, %get3A_17] : memref<200x16xi32, #tpu.memory_space<smem>>
      %get3A_19 = arith.index_cast %get3A_18 : i32 to index
      %get3A_20 = arith.constant 0 : index
      %get3A_21 = vector.load %arg2[%get3A_19, %get3A_20] : memref<10000x256xf32, #tpu.memory_space<vmem>>, vector<1x256xf32>
      %add3A_22 = arith.addf %add3A, %get3A_21 : vector<1x256xf32>
      %get3A_23 = arith.index_cast %scan3A_4 : i32 to index
      %get3A_24 = arith.constant 3 : index
      %get3A_25 = memref.load %arg1[%get3A_23, %get3A_24] : memref<200x16xi32, #tpu.memory_space<smem>>
      %get3A_26 = arith.index_cast %get3A_25 : i32 to index
      %get3A_27 = arith.constant 0 : index
      %get3A_28 = vector.load %arg2[%get3A_26, %get3A_27] : memref<10000x256xf32, #tpu.memory_space<vmem>>, vector<1x256xf32>
      %add3A_29 = arith.addf %add3A_22, %get3A_28 : vector<1x256xf32>
      %get3A_30 = arith.index_cast %scan3A_4 : i32 to index
      %get3A_31 = arith.constant 4 : index
      %get3A_32 = memref.load %arg1[%get3A_30, %get3A_31] : memref<200x16xi32, #tpu.memory_space<smem>>
      %get3A_33 = arith.index_cast %get3A_32 : i32 to index
      %get3A_34 = arith.constant 0 : index
      %get3A_35 = vector.load %arg2[%get3A_33, %get3A_34] : memref<10000x256xf32, #tpu.memory_space<vmem>>, vector<1x256xf32>
      %add3A_36 = arith.addf %add3A_29, %get3A_35 : vector<1x256xf32>
      %get3A_37 = arith.index_cast %scan3A_4 : i32 to index
      %get3A_38 = arith.constant 5 : index
      %get3A_39 = memref.load %arg1[%get3A_37, %get3A_38] : memref<200x16xi32, #tpu.memory_space<smem>>
      %get3A_40 = arith.index_cast %get3A_39 : i32 to index
      %get3A_41 = arith.constant 0 : index
      %get3A_42 = vector.load %arg2[%get3A_40, %get3A_41] : memref<10000x256xf32, #tpu.memory_space<vmem>>, vector<1x256xf32>
      %add3A_43 = arith.addf %add3A_36, %get3A_42 : vector<1x256xf32>
      %get3A_44 = arith.index_cast %scan3A_4 : i32 to index
      %get3A_45 = arith.constant 6 : index
      %get3A_46 = memref.load %arg1[%get3A_44, %get3A_45] : memref<200x16xi32, #tpu.memory_space<smem>>
      %get3A_47 = arith.index_cast %get3A_46 : i32 to index
      %get3A_48 = arith.constant 0 : index
      %get3A_49 = vector.load %arg2[%get3A_47, %get3A_48] : memref<10000x256xf32, #tpu.memory_space<vmem>>, vector<1x256xf32>
      %add3A_50 = arith.addf %add3A_43, %get3A_49 : vector<1x256xf32>
      %get3A_51 = arith.index_cast %scan3A_4 : i32 to index
      %get3A_52 = arith.constant 7 : index
      %get3A_53 = memref.load %arg1[%get3A_51, %get3A_52] : memref<200x16xi32, #tpu.memory_space<smem>>
      %get3A_54 = arith.index_cast %get3A_53 : i32 to index
      %get3A_55 = arith.constant 0 : index
      %get3A_56 = vector.load %arg2[%get3A_54, %get3A_55] : memref<10000x256xf32, #tpu.memory_space<vmem>>, vector<1x256xf32>
      %add3A_57 = arith.addf %add3A_50, %get3A_56 : vector<1x256xf32>
      %get3A_58 = arith.index_cast %scan3A_4 : i32 to index
      %get3A_59 = arith.constant 8 : index
      %get3A_60 = memref.load %arg1[%get3A_58, %get3A_59] : memref<200x16xi32, #tpu.memory_space<smem>>
      %get3A_61 = arith.index_cast %get3A_60 : i32 to index
      %get3A_62 = arith.constant 0 : index
      %get3A_63 = vector.load %arg2[%get3A_61, %get3A_62] : memref<10000x256xf32, #tpu.memory_space<vmem>>, vector<1x256xf32>
      %add3A_64 = arith.addf %add3A_57, %get3A_63 : vector<1x256xf32>
      %get3A_65 = arith.index_cast %scan3A_4 : i32 to index
      %get3A_66 = arith.constant 9 : index
      %get3A_67 = memref.load %arg1[%get3A_65, %get3A_66] : memref<200x16xi32, #tpu.memory_space<smem>>
      %get3A_68 = arith.index_cast %get3A_67 : i32 to index
      %get3A_69 = arith.constant 0 : index
      %get3A_70 = vector.load %arg2[%get3A_68, %get3A_69] : memref<10000x256xf32, #tpu.memory_space<vmem>>, vector<1x256xf32>
      %add3A_71 = arith.addf %add3A_64, %get3A_70 : vector<1x256xf32>
      %get3A_72 = arith.index_cast %scan3A_4 : i32 to index
      %get3A_73 = arith.constant 10 : index
      %get3A_74 = memref.load %arg1[%get3A_72, %get3A_73] : memref<200x16xi32, #tpu.memory_space<smem>>
      %get3A_75 = arith.index_cast %get3A_74 : i32 to index
      %get3A_76 = arith.constant 0 : index
      %get3A_77 = vector.load %arg2[%get3A_75, %get3A_76] : memref<10000x256xf32, #tpu.memory_space<vmem>>, vector<1x256xf32>
      %add3A_78 = arith.addf %add3A_71, %get3A_77 : vector<1x256xf32>
      %get3A_79 = arith.index_cast %scan3A_4 : i32 to index
      %get3A_80 = arith.constant 11 : index
      %get3A_81 = memref.load %arg1[%get3A_79, %get3A_80] : memref<200x16xi32, #tpu.memory_space<smem>>
      %get3A_82 = arith.index_cast %get3A_81 : i32 to index
      %get3A_83 = arith.constant 0 : index
      %get3A_84 = vector.load %arg2[%get3A_82, %get3A_83] : memref<10000x256xf32, #tpu.memory_space<vmem>>, vector<1x256xf32>
      %add3A_85 = arith.addf %add3A_78, %get3A_84 : vector<1x256xf32>
      %get3A_86 = arith.index_cast %scan3A_4 : i32 to index
      %get3A_87 = arith.constant 12 : index
      %get3A_88 = memref.load %arg1[%get3A_86, %get3A_87] : memref<200x16xi32, #tpu.memory_space<smem>>
      %get3A_89 = arith.index_cast %get3A_88 : i32 to index
      %get3A_90 = arith.constant 0 : index
      %get3A_91 = vector.load %arg2[%get3A_89, %get3A_90] : memref<10000x256xf32, #tpu.memory_space<vmem>>, vector<1x256xf32>
      %add3A_92 = arith.addf %add3A_85, %get3A_91 : vector<1x256xf32>
      %get3A_93 = arith.index_cast %scan3A_4 : i32 to index
      %get3A_94 = arith.constant 13 : index
      %get3A_95 = memref.load %arg1[%get3A_93, %get3A_94] : memref<200x16xi32, #tpu.memory_space<smem>>
      %get3A_96 = arith.index_cast %get3A_95 : i32 to index
      %get3A_97 = arith.constant 0 : index
      %get3A_98 = vector.load %arg2[%get3A_96, %get3A_97] : memref<10000x256xf32, #tpu.memory_space<vmem>>, vector<1x256xf32>
      %add3A_99 = arith.addf %add3A_92, %get3A_98 : vector<1x256xf32>
      %get3A_100 = arith.index_cast %scan3A_4 : i32 to index
      %get3A_101 = arith.constant 14 : index
      %get3A_102 = memref.load %arg1[%get3A_100, %get3A_101] : memref<200x16xi32, #tpu.memory_space<smem>>
      %get3A_103 = arith.index_cast %get3A_102 : i32 to index
      %get3A_104 = arith.constant 0 : index
      %get3A_105 = vector.load %arg2[%get3A_103, %get3A_104] : memref<10000x256xf32, #tpu.memory_space<vmem>>, vector<1x256xf32>
      %add3A_106 = arith.addf %add3A_99, %get3A_105 : vector<1x256xf32>
      %get3A_107 = arith.index_cast %scan3A_4 : i32 to index
      %get3A_108 = arith.constant 15 : index
      %get3A_109 = memref.load %arg1[%get3A_107, %get3A_108] : memref<200x16xi32, #tpu.memory_space<smem>>
      %get3A_110 = arith.index_cast %get3A_109 : i32 to index
      %get3A_111 = arith.constant 0 : index
      %get3A_112 = vector.load %arg2[%get3A_110, %get3A_111] : memref<10000x256xf32, #tpu.memory_space<vmem>>, vector<1x256xf32>
      %add3A_113 = arith.addf %add3A_106, %get3A_112 : vector<1x256xf32>
      %swap3A = arith.index_cast %scan3A_4 : i32 to index
      %swap3A_114 = arith.constant 0 : index
      %swap3A_115 = vector.load %arg3[%swap3A, %swap3A_114] : memref<200x256xf32, #tpu.memory_space<vmem>>, vector<1x256xf32>
      tpu.vector_store %arg3[%swap3A, %swap3A_114], %add3A_113 {strides = array<i32>} : memref<200x256xf32, #tpu.memory_space<vmem>>, vector<1x256xf32>,
    }
    %scan3A_3 = arith.constant 200 : i32
    return
  }
  func.func @transform_0(%arg0: i32) -> (i32, i32) {
    %c0_i32 = arith.constant 0 : i32
    %c0_i32_0 = arith.constant 0 : i32
    return %arg0, %c0_i32 : i32, i32
  }
  func.func @transform_1(%arg0: i32) -> (i32, i32) {
    %c0_i32 = arith.constant 0 : i32
    %c0_i32_0 = arith.constant 0 : i32
    %c0_i32_1 = arith.constant 0 : i32
    return %c0_i32, %c0_i32_0 : i32, i32
  }
  func.func @transform_2(%arg0: i32) -> (i32, i32) {
    %c0_i32 = arith.constant 0 : i32
    %c0_i32_0 = arith.constant 0 : i32
    return %arg0, %c0_i32 : i32, i32
  }
}

module attributes {stable_mosaic.version = 14 : i64} {
  func.func @_tc_bn_body(%arg0: i32, %arg1: memref<1000x512xf32, #tpu.memory_space<vmem>>, %arg2: memref<1x512xf32, #tpu.memory_space<vmem>>, %arg3: memref<1x512xf32, #tpu.memory_space<vmem>>, %arg4: memref<1x512xf32, #tpu.memory_space<vmem>>, %arg5: memref<1x512xf32, #tpu.memory_space<vmem>>, %arg6: memref<1000x512xf32, #tpu.memory_space<vmem>>) attributes {dimension_semantics = [#tpu.dimension_semantics<arbitrary>], iteration_bounds = array<i64: 10>, scalar_prefetch = 0 : i64, scratch_operands = 0 : i64, tpu.core_type = #tpu.core_type<tc>, window_params = [{transform_indices = @transform_0, window_bounds = array<i64: 1000, 512>}, {pipeline_mode = #tpu.pipeline_mode<synchronous>, transform_indices = @transform_1, window_bounds = array<i64: 1, 512>}, {pipeline_mode = #tpu.pipeline_mode<synchronous>, transform_indices = @transform_2, window_bounds = array<i64: 1, 512>}, {pipeline_mode = #tpu.pipeline_mode<synchronous>, transform_indices = @transform_3, window_bounds = array<i64: 1, 512>}, {pipeline_mode = #tpu.pipeline_mode<synchronous>, transform_indices = @transform_4, window_bounds = array<i64: 1, 512>}, {transform_indices = @transform_5, window_bounds = array<i64: 1000, 512>}]} {
    %get3A = arith.constant 0 : index
    %get3A_0 = arith.constant 0 : index
    %get3A_1 = vector.load %arg2[%get3A, %get3A_0] : memref<1x512xf32, #tpu.memory_space<vmem>>, vector<1x512xf32>
    %mul3A = arith.constant 9.99999974E-5 : f32
    %mul3A_2 = vector.broadcast %mul3A : f32 to vector<1x512xf32>
    %mul3A_3 = arith.mulf %get3A_1, %mul3A_2 : vector<1x512xf32>
    %get3A_4 = arith.constant 0 : index
    %get3A_5 = arith.constant 0 : index
    %get3A_6 = vector.load %arg3[%get3A_4, %get3A_5] : memref<1x512xf32, #tpu.memory_space<vmem>>, vector<1x512xf32>
    %mul3A_7 = arith.constant 9.99999974E-5 : f32
    %mul3A_8 = vector.broadcast %mul3A_7 : f32 to vector<1x512xf32>
    %mul3A_9 = arith.mulf %get3A_6, %mul3A_8 : vector<1x512xf32>
    %mul3A_10 = arith.mulf %mul3A_3, %mul3A_3 : vector<1x512xf32>
    %sub3A = arith.subf %mul3A_9, %mul3A_10 : vector<1x512xf32>
    %get3A_11 = arith.constant 0 : index
    %get3A_12 = arith.constant 0 : index
    %get3A_13 = vector.load %arg4[%get3A_11, %get3A_12] : memref<1x512xf32, #tpu.memory_space<vmem>>, vector<1x512xf32>
    %add3A = arith.constant 9.99999974E-6 : f32
    %add3A_14 = vector.broadcast %add3A : f32 to vector<1x512xf32>
    %add3A_15 = arith.addf %sub3A, %add3A_14 : vector<1x512xf32>
    %rsqrt3A = math.rsqrt %add3A_15 : vector<1x512xf32>
    %mul3A_16 = arith.mulf %get3A_13, %rsqrt3A : vector<1x512xf32>
    %get3A_17 = arith.constant 0 : index
    %get3A_18 = arith.constant 0 : index
    %get3A_19 = vector.load %arg5[%get3A_17, %get3A_18] : memref<1x512xf32, #tpu.memory_space<vmem>>, vector<1x512xf32>
    %mul3A_20 = arith.mulf %mul3A_3, %mul3A_16 : vector<1x512xf32>
    %sub3A_21 = arith.subf %get3A_19, %mul3A_20 : vector<1x512xf32>
    %get3A_22 = arith.constant 0 : index
    %get3A_23 = arith.constant 0 : index
    %get3A_24 = vector.load %arg1[%get3A_22, %get3A_23] : memref<1000x512xf32, #tpu.memory_space<vmem>>, vector<1000x512xf32>
    %mul3A_25 = vector.broadcast %mul3A_16 : vector<1x512xf32> to vector<1000x512xf32>
    %mul3A_26 = arith.mulf %get3A_24, %mul3A_25 : vector<1000x512xf32>
    %add3A_27 = vector.broadcast %sub3A_21 : vector<1x512xf32> to vector<1000x512xf32>
    %add3A_28 = arith.addf %mul3A_26, %add3A_27 : vector<1000x512xf32>
    %max3A = arith.constant 0.000000e+00 : f32
    %max3A_29 = vector.broadcast %max3A : f32 to vector<1000x512xf32>
    %max3A_30 = arith.maximumf %add3A_28, %max3A_29 : vector<1000x512xf32>
    %swap3A = arith.constant 0 : index
    %swap3A_31 = arith.constant 0 : index
    %swap3A_32 = vector.load %arg6[%swap3A, %swap3A_31] : memref<1000x512xf32, #tpu.memory_space<vmem>>, vector<1000x512xf32>
    tpu.vector_store %arg6[%swap3A, %swap3A_31], %max3A_30 {strides = array<i32>} : memref<1000x512xf32, #tpu.memory_space<vmem>>, vector<1000x512xf32>,
    return
  }
  func.func @transform_0(%arg0: i32) -> (i32, i32) {
    %c0_i32 = arith.constant 0 : i32
    %c0_i32_0 = arith.constant 0 : i32
    return %arg0, %c0_i32 : i32, i32
  }
  func.func @transform_1(%arg0: i32) -> (i32, i32) {
    %c0_i32 = arith.constant 0 : i32
    %c0_i32_0 = arith.constant 0 : i32
    %c0_i32_1 = arith.constant 0 : i32
    return %c0_i32, %c0_i32_0 : i32, i32
  }
  func.func @transform_2(%arg0: i32) -> (i32, i32) {
    %c0_i32 = arith.constant 0 : i32
    %c0_i32_0 = arith.constant 0 : i32
    %c0_i32_1 = arith.constant 0 : i32
    return %c0_i32, %c0_i32_0 : i32, i32
  }
  func.func @transform_3(%arg0: i32) -> (i32, i32) {
    %c0_i32 = arith.constant 0 : i32
    %c0_i32_0 = arith.constant 0 : i32
    %c0_i32_1 = arith.constant 0 : i32
    return %c0_i32, %c0_i32_0 : i32, i32
  }
  func.func @transform_4(%arg0: i32) -> (i32, i32) {
    %c0_i32 = arith.constant 0 : i32
    %c0_i32_0 = arith.constant 0 : i32
    %c0_i32_1 = arith.constant 0 : i32
    return %c0_i32, %c0_i32_0 : i32, i32
  }
  func.func @transform_5(%arg0: i32) -> (i32, i32) {
    %c0_i32 = arith.constant 0 : i32
    %c0_i32_0 = arith.constant 0 : i32
    return %arg0, %c0_i32 : i32, i32
  }
}

module attributes {stable_mosaic.version = 14 : i64} {
  func.func @_tc_matmul_body(%arg0: i32, %arg1: memref<1000x256xf32, #tpu.memory_space<vmem>>, %arg2: memref<1000x256xf32, #tpu.memory_space<vmem>>, %arg3: memref<1000x256xf32, #tpu.memory_space<vmem>>, %arg4: memref<256x512xf32, #tpu.memory_space<vmem>>, %arg5: memref<1x512xf32, #tpu.memory_space<vmem>>, %arg6: memref<1000x512xf32, #tpu.memory_space<vmem>>, %arg7: memref<1x512xf32, #tpu.memory_space<vmem>>, %arg8: memref<1x512xf32, #tpu.memory_space<vmem>>, %arg9: memref<1000x256xf32, #tpu.memory_space<vmem>>) attributes {dimension_semantics = [#tpu.dimension_semantics<arbitrary>], iteration_bounds = array<i64: 10>, scalar_prefetch = 0 : i64, scratch_operands = 1 : i64, tpu.core_type = #tpu.core_type<tc>, window_params = [{transform_indices = @transform_0, window_bounds = array<i64: 1000, 256>}, {transform_indices = @transform_1, window_bounds = array<i64: 1000, 256>}, {transform_indices = @transform_2, window_bounds = array<i64: 1000, 256>}, {pipeline_mode = #tpu.pipeline_mode<synchronous>, transform_indices = @transform_3, window_bounds = array<i64: 256, 512>}, {pipeline_mode = #tpu.pipeline_mode<synchronous>, transform_indices = @transform_4, window_bounds = array<i64: 1, 512>}, {transform_indices = @transform_5, window_bounds = array<i64: 1000, 512>}, {pipeline_mode = #tpu.pipeline_mode<synchronous>, transform_indices = @transform_6, window_bounds = array<i64: 1, 512>}, {pipeline_mode = #tpu.pipeline_mode<synchronous>, transform_indices = @transform_7, window_bounds = array<i64: 1, 512>}]} {
    %lt3A = arith.constant 4 : i32
    %lt3A_0 = arith.cmpi slt, %arg0, %lt3A : i32
    %convert_element_type3A = arith.extui %lt3A_0 : i1 to i32
    %cond3A = arith.constant 0 : i32
    %cond3A_1 = arith.cmpi ne, %convert_element_type3A, %cond3A : i32
    scf.if %cond3A_1 {
      %get3A_30 = arith.constant 0 : index
      %get3A_31 = arith.constant 0 : index
      %get3A_32 = vector.load %arg1[%get3A_30, %get3A_31] : memref<1000x256xf32, #tpu.memory_space<vmem>>, vector<1000x256xf32>
      %get3A_33 = arith.constant 0 : index
      %get3A_34 = arith.constant 0 : index
      %get3A_35 = vector.load %arg2[%get3A_33, %get3A_34] : memref<1000x256xf32, #tpu.memory_space<vmem>>, vector<1000x256xf32>
      %add3A_36 = arith.addf %get3A_32, %get3A_35 : vector<1000x256xf32>
      %swap3A_37 = arith.constant 0 : index
      %swap3A_38 = arith.constant 0 : index
      %swap3A_39 = vector.load %arg9[%swap3A_37, %swap3A_38] : memref<1000x256xf32, #tpu.memory_space<vmem>>, vector<1000x256xf32>
      tpu.vector_store %arg9[%swap3A_37, %swap3A_38], %add3A_36 {strides = array<i32>} : memref<1000x256xf32, #tpu.memory_space<vmem>>, vector<1000x256xf32>,
    } else {
    }
    %ge3A = arith.constant 4 : i32
    %ge3A_2 = arith.cmpi sge, %arg0, %ge3A : i32
    %convert_element_type3A_3 = arith.extui %ge3A_2 : i1 to i32
    %cond3A_4 = arith.constant 0 : i32
    %cond3A_5 = arith.cmpi ne, %convert_element_type3A_3, %cond3A_4 : i32
    scf.if %cond3A_5 {
      %get3A_30 = arith.constant 0 : index
      %get3A_31 = arith.constant 0 : index
      %get3A_32 = vector.load %arg1[%get3A_30, %get3A_31] : memref<1000x256xf32, #tpu.memory_space<vmem>>, vector<1000x256xf32>
      %get3A_33 = arith.constant 0 : index
      %get3A_34 = arith.constant 0 : index
      %get3A_35 = vector.load %arg3[%get3A_33, %get3A_34] : memref<1000x256xf32, #tpu.memory_space<vmem>>, vector<1000x256xf32>
      %add3A_36 = arith.addf %get3A_32, %get3A_35 : vector<1000x256xf32>
      %swap3A_37 = arith.constant 0 : index
      %swap3A_38 = arith.constant 0 : index
      %swap3A_39 = vector.load %arg9[%swap3A_37, %swap3A_38] : memref<1000x256xf32, #tpu.memory_space<vmem>>, vector<1000x256xf32>
      tpu.vector_store %arg9[%swap3A_37, %swap3A_38], %add3A_36 {strides = array<i32>} : memref<1000x256xf32, #tpu.memory_space<vmem>>, vector<1000x256xf32>,
    } else {
    }
    %get3A = arith.constant 0 : index
    %get3A_6 = arith.constant 0 : index
    %get3A_7 = vector.load %arg9[%get3A, %get3A_6] : memref<1000x256xf32, #tpu.memory_space<vmem>>, vector<1000x256xf32>
    %get3A_8 = arith.constant 0 : index
    %get3A_9 = arith.constant 0 : index
    %get3A_10 = vector.load %arg4[%get3A_8, %get3A_9] : memref<256x512xf32, #tpu.memory_space<vmem>>, vector<256x512xf32>
    %dot_general3A = arith.constant dense<0.000000e+00> : vector<1000x512xf32>
    %dot_general3A_11 = tpu.matmul %get3A_7, %get3A_10, %dot_general3A {dimension_numbers = #tpu.dot_dimension_numbers<[1], [0], [0], [1], [0, 0, 1, 1], [], []>, transpose_lhs_hint = false} : vector<1000x256xf32>, vector<256x512xf32>, vector<1000x512xf32> -> vector<1000x512xf32>
    %get3A_12 = arith.constant 0 : index
    %get3A_13 = arith.constant 0 : index
    %get3A_14 = vector.load %arg5[%get3A_12, %get3A_13] : memref<1x512xf32, #tpu.memory_space<vmem>>, vector<1x512xf32>
    %add3A = vector.broadcast %get3A_14 : vector<1x512xf32> to vector<1000x512xf32>
    %add3A_15 = arith.addf %dot_general3A_11, %add3A : vector<1000x512xf32>
    %swap3A = arith.constant 0 : index
    %swap3A_16 = arith.constant 0 : index
    %swap3A_17 = vector.load %arg6[%swap3A, %swap3A_16] : memref<1000x512xf32, #tpu.memory_space<vmem>>, vector<1000x512xf32>
    tpu.vector_store %arg6[%swap3A, %swap3A_16], %add3A_15 {strides = array<i32>} : memref<1000x512xf32, #tpu.memory_space<vmem>>, vector<1000x512xf32>,
    %reduce_sum3A = arith.constant dense<0.000000e+00> : vector<512xf32>
    %reduce_sum3A_18 = vector.multi_reduction <add>, %add3A_15, %reduce_sum3A [0] : vector<1000x512xf32> to vector<512xf32>
    %broadcast_in_dim3A = vector.shape_cast %reduce_sum3A_18 : vector<512xf32> to vector<1x512xf32>
    %mul3A = arith.mulf %add3A_15, %add3A_15 : vector<1000x512xf32>
    %reduce_sum3A_19 = arith.constant dense<0.000000e+00> : vector<512xf32>
    %reduce_sum3A_20 = vector.multi_reduction <add>, %mul3A, %reduce_sum3A_19 [0] : vector<1000x512xf32> to vector<512xf32>
    %broadcast_in_dim3A_21 = vector.shape_cast %reduce_sum3A_20 : vector<512xf32> to vector<1x512xf32>
    %eq3A = arith.constant 0 : i32
    %eq3A_22 = arith.cmpi eq, %arg0, %eq3A : i32
    %convert_element_type3A_23 = arith.extui %eq3A_22 : i1 to i32
    %cond3A_24 = arith.constant 0 : i32
    %cond3A_25 = arith.cmpi ne, %convert_element_type3A_23, %cond3A_24 : i32
    scf.if %cond3A_25 {
      %swap3A_30 = arith.constant 0 : index
      %swap3A_31 = arith.constant 0 : index
      %swap3A_32 = vector.load %arg7[%swap3A_30, %swap3A_31] : memref<1x512xf32, #tpu.memory_space<vmem>>, vector<1x512xf32>
      tpu.vector_store %arg7[%swap3A_30, %swap3A_31], %broadcast_in_dim3A {strides = array<i32>} : memref<1x512xf32, #tpu.memory_space<vmem>>, vector<1x512xf32>,
      %swap3A_33 = arith.constant 0 : index
      %swap3A_34 = arith.constant 0 : index
      %swap3A_35 = vector.load %arg8[%swap3A_33, %swap3A_34] : memref<1x512xf32, #tpu.memory_space<vmem>>, vector<1x512xf32>
      tpu.vector_store %arg8[%swap3A_33, %swap3A_34], %broadcast_in_dim3A_21 {strides = array<i32>} : memref<1x512xf32, #tpu.memory_space<vmem>>, vector<1x512xf32>,
    } else {
    }
    %gt3A = arith.constant 0 : i32
    %gt3A_26 = arith.cmpi sgt, %arg0, %gt3A : i32
    %convert_element_type3A_27 = arith.extui %gt3A_26 : i1 to i32
    %cond3A_28 = arith.constant 0 : i32
    %cond3A_29 = arith.cmpi ne, %convert_element_type3A_27, %cond3A_28 : i32
    scf.if %cond3A_29 {
      %get3A_30 = arith.constant 0 : index
      %get3A_31 = arith.constant 0 : index
      %get3A_32 = vector.load %arg7[%get3A_30, %get3A_31] : memref<1x512xf32, #tpu.memory_space<vmem>>, vector<1x512xf32>
      %add3A_33 = arith.addf %get3A_32, %broadcast_in_dim3A : vector<1x512xf32>
      %swap3A_34 = arith.constant 0 : index
      %swap3A_35 = arith.constant 0 : index
      %swap3A_36 = vector.load %arg7[%swap3A_34, %swap3A_35] : memref<1x512xf32, #tpu.memory_space<vmem>>, vector<1x512xf32>
      tpu.vector_store %arg7[%swap3A_34, %swap3A_35], %add3A_33 {strides = array<i32>} : memref<1x512xf32, #tpu.memory_space<vmem>>, vector<1x512xf32>,
      %get3A_37 = arith.constant 0 : index
      %get3A_38 = arith.constant 0 : index
      %get3A_39 = vector.load %arg8[%get3A_37, %get3A_38] : memref<1x512xf32, #tpu.memory_space<vmem>>, vector<1x512xf32>
      %add3A_40 = arith.addf %get3A_39, %broadcast_in_dim3A_21 : vector<1x512xf32>
      %swap3A_41 = arith.constant 0 : index
      %swap3A_42 = arith.constant 0 : index
      %swap3A_43 = vector.load %arg8[%swap3A_41, %swap3A_42] : memref<1x512xf32, #tpu.memory_space<vmem>>, vector<1x512xf32>
      tpu.vector_store %arg8[%swap3A_41, %swap3A_42], %add3A_40 {strides = array<i32>} : memref<1x512xf32, #tpu.memory_space<vmem>>, vector<1x512xf32>,
    } else {
    }
    return
  }
  func.func @transform_0(%arg0: i32) -> (i32, i32) {
    %c0_i32 = arith.constant 0 : i32
    %c0_i32_0 = arith.constant 0 : i32
    return %arg0, %c0_i32 : i32, i32
  }
  func.func @transform_1(%arg0: i32) -> (i32, i32) {
    %min3A = arith.constant 3 : i32
    %min3A_0 = arith.minsi %arg0, %min3A : i32
    %c0_i32 = arith.constant 0 : i32
    %c0_i32_1 = arith.constant 0 : i32
    return %min3A_0, %c0_i32 : i32, i32
  }
  func.func @transform_2(%arg0: i32) -> (i32, i32) {
    %sub3A = arith.constant 4 : i32
    %sub3A_0 = arith.subi %arg0, %sub3A : i32
    %max3A = arith.constant 0 : i32
    %max3A_1 = arith.maxsi %sub3A_0, %max3A : i32
    %c0_i32 = arith.constant 0 : i32
    %c0_i32_2 = arith.constant 0 : i32
    return %max3A_1, %c0_i32 : i32, i32
  }
  func.func @transform_3(%arg0: i32) -> (i32, i32) {
    %c0_i32 = arith.constant 0 : i32
    %c0_i32_0 = arith.constant 0 : i32
    %c0_i32_1 = arith.constant 0 : i32
    return %c0_i32, %c0_i32_0 : i32, i32
  }
  func.func @transform_4(%arg0: i32) -> (i32, i32) {
    %c0_i32 = arith.constant 0 : i32
    %c0_i32_0 = arith.constant 0 : i32
    %c0_i32_1 = arith.constant 0 : i32
    return %c0_i32, %c0_i32_0 : i32, i32
  }
  func.func @transform_5(%arg0: i32) -> (i32, i32) {
    %c0_i32 = arith.constant 0 : i32
    %c0_i32_0 = arith.constant 0 : i32
    return %arg0, %c0_i32 : i32, i32
  }
  func.func @transform_6(%arg0: i32) -> (i32, i32) {
    %c0_i32 = arith.constant 0 : i32
    %c0_i32_0 = arith.constant 0 : i32
    %c0_i32_1 = arith.constant 0 : i32
    return %c0_i32, %c0_i32_0 : i32, i32
  }
  func.func @transform_7(%arg0: i32) -> (i32, i32) {
    %c0_i32 = arith.constant 0 : i32
    %c0_i32_0 = arith.constant 0 : i32
    %c0_i32_1 = arith.constant 0 : i32
    return %c0_i32, %c0_i32_0 : i32, i32
  }
}

</mosaic_0001>

<sc_bundles>
// kernel: kernel.6.cloned.1.call-start
scs
__scs_entry_jumppad:
0x0: {  	(pc) =	sbr.rel $0x88, $3  }
0x1: {  	(tag) =	ssettag $0x0;
	lr =	simm.s32 $0x1  }
0x2: {  	[smem:$0x3F9B] =	sst lr;
	_ =	strace $0xD0000000  }
0x3: {  	_ = 	snop  }
0x4: {  	_ = 	snop  }
0x5: {  	_ = 	snop  }
0x6: {  	_ = 	snop  }
0x7: {  	_ = 	snop  }
__scs_overlays_trampoline_lowered:
0x8: {  	[smem:$0x3FAA] =	sst s0  }
0x9: {  	[smem:$0x3FAB] =	sst s1  }
0xa: {  	[smem:$0x3FAC] =	sst s2  }
0xb: {  	[smem:$0x3FAD] =	sst s3  }
0xc: {  	[smem:$0x3FAE] =	sst s4  }
0xd: {  	[smem:$0x3FAF] =	sst s5  }
0xe: {  	[smem:$0x3FB0] =	sst s6  }
0xf: {  	[smem:$0x3FB1] =	sst s7  }
0x10: {  	[smem:$0x3FB2] =	sst s8  }
0x11: {  	[smem:$0x3FB3] =	sst s9;
	s0 =	simm.s32 @!p0 $0x0  }
0x12: {  	s1 =	sld [smem:$0x3F99];
	s0 =	simm.s32 @p0 $0x1  }
0x13: {  	[smem:$0x3FB4] =	sst s0;
	s0 =	simm.s32 @!p1 $0x0  }
0x14: {  	s2 =	sld [smem:$0x3F98];
	s0 =	simm.s32 @p1 $0x1  }
0x15: {  	[smem:$0x3FB5] =	sst s0;
	s0 =	simm.s32 @!p2 $0x0  }
0x16: {  	s3 =	sld [smem:$0x3FDB];
	s0 =	simm.s32 @p2 $0x1  }
0x17: {  	s4 =	simm.s32 $0x1BF5;
	[smem:$0x3FB7] =	sst s0  }
0x18: {  	s0 =	sld [smem:$0x3F9A];
	_ =	swait.ge [sflag:s4], $0x0  }
0x19: {  	s7 =	sld [smem:$0x3F9B]  }
0x1a: {  	s8 =	sadd.s32 $0xFFFFE003, lr  }
0x1b: {  	s9 =	sadd.s32 $0xFFFFFEF7, lr;
	s5 =	simm.s32 $0xFFFFFFFF;
	p2 =	slt.u32 s8, $0xFFFFF086  }
0x1c: {  	p1 =	slt.u32 s9, $0xF7A;
	s5 =	simm.s32 @!p2 $0x0  }
0x1d: {  	s5 =	simm.s32 @p1 $0x1;
	p0 =	seq.s32 s7, s2  }
0x1e: {  	s7 =	smul.u32 @!p0 $0xF7A, s2;
	p2 =	seq.s32 @!p0 s5, $0x0  }
0x1f: {  	s9 =	smul.u32 $0xF7A, s1;
	s8 =	simm.s32 @!p0 $0x1BF5;
	p2 =	por !p2, p0  }
0x20: {  	[sflag:s8] =	ssyncset.s32 @!p0 $0xFFFFF086;
	s6 =	sadd.s32 @!p0 s3, s7;
	s7 =	simm.s32 @!p0 $0x108  }
0x21: {  	s3 =	sadd.s32 s3, s9;
	s6 =	sadd.s32 @!p0 $0x88, s6;
	s7 =	simm.s32 @p2 $0x1082  }
0x22: {  	[simem:s7], [sflag:s8] =	dma.local @!p0 [hbm:s6], $0xF7A  }
0x23: {  	s9 =	sor.u32 $0xD0000000, s2;
	s6 =	simm.s32 $0x108;
	_ =	swait.ge @!p0 [sflag:s8], $0x0  }
0x24: {  	s3 =	sadd.s32 $0x88, s3;
	s6 =	simm.s32 @!p1 $0x1082;
	[sflag:s4] =	ssyncset.s32 $0xFFFFF086  }
0x25: {  	[simem:s6], [sflag:s4] =	dma.local [hbm:s3], $0xF7A  }
0x26: {  	[smem:$0x3F9B] =	sst s1;
	(tag) =	ssettag s2;
	_ =	strace s9  }
0x27: {  	s1 =	sld [smem:$0x3FAB]  }
0x28: {  	s2 =	sld [smem:$0x3FAC]  }
0x29: {  	s4 =	sld [smem:$0x3FAE]  }
0x2a: {  	p0 =	seq.s32 s5, $0x0;
	s5 =	sld [smem:$0x3FAF]  }
0x2b: {  	s6 =	sld [smem:$0x3FB0]  }
0x2c: {  	s7 =	sld [smem:$0x3FB1]  }
0x2d: {  	s3 =	simm.s32 $0x108;
	s8 =	sld [smem:$0x3FB2]  }
0x2e: {  	s3 =	simm.s32 @!p0 $0x1082;
	s9 =	sld [smem:$0x3FB3]  }
0x2f: {  	lr =	sadd.s32 s0, s3;
	s0 =	sld [smem:$0x3FAA]  }
0x30: {  	s3 =	sld [smem:$0x3FAD]  }
0x31: {  	[smem:$0x3FB6] =	sst s10  }
0x32: {  	s10 =	sld [smem:$0x3FB4];
	_ =	sdelay $0x3  }
0x33: {  	p0 =	seq.s32 s10, $0x1;
	s10 =	sld [smem:$0x3FB6];
	_ =	sdelay $0x3  }
0x34: {  	[smem:$0x3FB6] =	sst s10  }
0x35: {  	s10 =	sld [smem:$0x3FB5];
	_ =	sdelay $0x3  }
0x36: {  	p1 =	seq.s32 s10, $0x1;
	s10 =	sld [smem:$0x3FB6];
	_ =	sdelay $0x3  }
0x37: {  	[smem:$0x3FB6] =	sst s10  }
0x38: {  	s10 =	sld [smem:$0x3FB7]  }
0x39: {  	_ = 	snop;
	(pc) =	sbr.ind lr, $3  }
0x3a: {  	_ = 	snop  }
0x3b: {  	_ = 	snop  }
0x3c: {  	p2 =	seq.s32 s10, $0x1;
	s10 =	sld [smem:$0x3FB6]  }
0x3d: {  	_ =	shalt  }
0x3e: {  	_ =	shalt  }
0x3f: {  	_ =	shalt  }
0x40: {  	_ =	shalt  }
0x41: {  	_ =	shalt  }
0x42: {  	_ =	shalt  }
0x43: {  	_ =	shalt  }
0x44: {  	_ =	shalt  }
0x45: {  	_ =	shalt  }
0x46: {  	_ =	shalt  }
0x47: {  	_ =	shalt  }
0x48: {  	_ =	shalt  }
0x49: {  	_ =	shalt  }
0x4a: {  	_ =	shalt  }
0x4b: {  	_ =	shalt  }
0x4c: {  	_ =	shalt  }
0x4d: {  	_ =	shalt  }
0x4e: {  	_ =	shalt  }
0x4f: {  	_ =	shalt  }
0x50: {  	_ =	shalt  }
0x51: {  	_ =	shalt  }
0x52: {  	_ =	shalt  }
0x53: {  	_ =	shalt  }
0x54: {  	_ =	shalt  }
0x55: {  	_ =	shalt  }
0x56: {  	_ =	shalt  }
0x57: {  	_ =	shalt  }
0x58: {  	_ =	shalt  }
0x59: {  	_ =	shalt  }
0x5a: {  	_ =	shalt  }
0x5b: {  	_ =	shalt  }
0x5c: {  	_ =	shalt  }
0x5d: {  	_ =	shalt  }
0x5e: {  	_ =	shalt  }
0x5f: {  	_ =	shalt  }
0x60: {  	_ =	shalt  }
0x61: {  	_ =	shalt  }
0x62: {  	_ =	shalt  }
0x63: {  	_ =	shalt  }
0x64: {  	_ =	shalt  }
0x65: {  	_ =	shalt  }
0x66: {  	_ =	shalt  }
0x67: {  	_ =	shalt  }
0x68: {  	_ =	shalt  }
0x69: {  	_ =	shalt  }
0x6a: {  	_ =	shalt  }
0x6b: {  	_ =	shalt  }
0x6c: {  	_ =	shalt  }
0x6d: {  	_ =	shalt  }
0x6e: {  	_ =	shalt  }
0x6f: {  	_ =	shalt  }
0x70: {  	_ =	shalt  }
0x71: {  	_ =	shalt  }
0x72: {  	_ =	shalt  }
0x73: {  	_ =	shalt  }
0x74: {  	_ =	shalt  }
0x75: {  	_ =	shalt  }
0x76: {  	_ =	shalt  }
0x77: {  	_ =	shalt  }
0x78: {  	_ =	shalt  }
0x79: {  	_ =	shalt  }
0x7a: {  	_ =	shalt  }
0x7b: {  	_ =	shalt  }
0x7c: {  	_ =	shalt  }
0x7d: {  	_ =	shalt  }
0x7e: {  	_ =	shalt  }
0x7f: {  	_ =	shalt  }
0x80: {  	_ =	shalt  }
0x81: {  	_ =	shalt  }
0x82: {  	_ =	shalt  }
0x83: {  	_ =	shalt  }
0x84: {  	_ =	shalt  }
0x85: {  	_ =	shalt  }
0x86: {  	_ =	shalt  }
0x87: {  	_ =	shalt  }
.Lfunc_end0:
.L_simem_size_0:
called_computation_lowered:
.L_overlay_start_0:
0x88: {  	s2 =	sld [smem:$0x3FD9]  }
0x89: {  	s3 =	sld [smem:$0x3FFE];
	_ =	sdelay $0x1  }
0x8a: {  	s1 =	srdreg.scid  }
0x8b: {  	s0 =	sand.u32 $0x1, s1  }
0x8c: {  	s15 =	sshll.u32 s0, $0xA;
	s2 =	sadd.s32 s3, s2  }
0x8d: {  	s2 =	sadd.s32 s2, s15  }
0x8e: {  	[smem:$0x3FC2] =	sst s2  }
0x8f: {  	_ = 	snop  }
0x90: {  	s2 =	sld [smem:$0x3FD0];
	_ =	sdelay $0x2  }
0x91: {  	s4 =	simm.s32 $0xA;
	s5 =	simm.s32 $0x10;
	s16 =	sld [smem:$0x3FC9]  }
0x92: {  	[smem:s5], [sflag:s4] =	dma.local [hbm:s2], $0x1  }
0x93: {  	_ =	swait.eq [sflag:s4], $0x1  }
0x94: {  	[sflag:s4] =	ssyncset.done $0x0  }
0x95: {  	s17 =	sld [smem:$0x10];
	[sflag:s4] =	ssyncadd.s32 $0xFFFFFFFF  }
0x96: {  	s18 =	sld [smem:$0x11];
	(tm) =	ssettm $0x1  }
0x97: {  	s19 =	sld [smem:$0x3FFB];
	_ =	sdelay $0x3  }
0x98: {  	_ =	strace s19  }
0x99: {  	s5 =	sld [smem:$0x3FFC];
	_ =	sdelay $0x3  }
0x9a: {  	_ =	strace s5  }
0x9b: {  	s5 =	sld [smem:$0x3FFD];
	_ =	sdelay $0x3  }
0x9c: {  	_ =	strace s5  }
0x9d: {  	_ =	strace $0x8FFFFFFF  }
0x9e: {  	s20 =	sld [smem:$0x3FDB];
	_ =	sdelay $0x1  }
0x9f: {  	s6 =	simm.s32 $_scs_section_size  }
0xa0: {  	s7 =	simm.s32 $_size__tile_overlayer_lowered;
	s8 =	simm.s32 $_tile_overlayer_lowered  }
0xa1: {  	s23 =	simm.s32 $0x1BFF;
	s22 =	sshll.u32 s8, $0x1;
	s5 =	sadd.s32 s6, s20  }
0xa2: {  	s9 =	simm.s32 $0x0;
	s21 =	sshll.u32 s7, $0x1;
	s7 =	sadd.s32 s22, s5  }
0xa3: {  	[timem:s9], [sflag:s23] =	dma.local [hbm:s7], s21  }
0xa4: {  	_ =	swait.ge [sflag:s23], s21  }
0xa5: {  	s6 =	ssub.s32 $0x0, s21;
	[sflag:s23] =	ssyncset.done $0x0  }
0xa6: {  	[sflag:s23] =	ssyncadd.s32 s6;
	_ =	sdelay $0x1  }
0xa7: {  	s24 =	simm.s32 $0x1B8B  }
0xa8: {  	_ =	swait.ge [sflag:s24], $0x1  }
0xa9: {  	[sflag:s24] =	ssyncset.done $0x0  }
0xaa: {  	s25 =	simm.s32 $0x1B8E;
	[sflag:s24] =	ssyncadd.s32 $0xFFFFFFFF  }
0xab: {  	s26 =	simm.s32 $execute0_lowered;
	[smem:$0x3FD2] =	sst s25  }
0xac: {  	s6 =	sshll.u32 s26, $0x1;
	_ =	strace $0x80000046;
	[dreg:$0x1] =	wrdreg $0xFFFFFFFF  }
0xad: {  	s28 =	simm.s32 $_size_execute0_lowered;
	s5 =	sadd.s32 s5, s6;
	[dreg:$0x0] =	wrdreg $0x0  }
0xae: {  	s6 =	sshll.u32 s28, $0x1;
	[dreg:$0x2] =	wrdreg s5  }
0xaf: {  	[dreg:$0x3] =	wrdreg s6  }
0xb0: {  	[dreg:$0x4] =	wrdreg $0xC0  }
0xb1: {  	_ =	task [dreg:s9], $0x5FFFF  }
0xb2: {  	[dreg:$0x1] =	wrdreg $0xFFFFFFFF  }
0xb3: {  	[dreg:$0x0] =	wrdreg $0x60  }
0xb4: {  	[dreg:$0x2] =	wrdreg s16  }
0xb5: {  	[dreg:$0x3] =	wrdreg s18  }
0xb6: {  	[dreg:$0x4] =	wrdreg s17  }
0xb7: {  	[dreg:$0x5] =	wrdreg $0x9  }
0xb8: {  	_ =	task.clear_ibuf [dreg:s9], $0x6FFFF;
	_ =	strace $0x90000046  }
0xb9: {  	s29 =	simm.s32 $0x9;
	_ =	strace $0x80000048  }
0xba: {  	_ =	swait.ge [sflag:s29], $0x1  }
0xbb: {  	[sflag:s29] =	ssyncadd.s32 $0xFFFFFFFF  }
0xbc: {  	_ =	strace $0x90000048  }
0xbd: {  	_ =	sfence  }
0xbe: {  	s30 =	sld [smem:$0x0];
	_ =	sdelay $0x2  }
0xbf: {  	s31 =	sshll.u32 s1, $0xD;
	s1 =	sshrl.u32 s1, $0x2  }
0xc0: {  	s3 =	sand.u32 $0x4000, s31;
	s1 =	sadd.s32 s1, s30  }
0xc1: {  	s0 =	sor.u32 s3, s0;
	s1 =	sshll.u32 s1, $0x11  }
0xc2: {  	s0 =	sor.u32 s1, s0  }
0xc3: {  	s0 =	sadd.s32 $0x8F2B, s0  }
0xc4: {  	[sflag:s0] =	ssyncadd.remote.s32 $0x1  }
0xc5: {  	_ =	sfence.sel $0xFFFF  }
0xc6: {  	[dreg:$0x0] =	wrdreg $0xFFFFFFFF;
	(pc) =	sbr.abs _section_cstart, $3  }
0xc7: {  	[dreg:$0x1] =	wrdreg $0xFFFFFFFF  }
0xc8: {  	_ =	task.clear_ibuf [dreg:s9], $0x2FFFF;
	_ =	strace $0x9FFFFFFF  }
0xc9: {  	(tm) =	ssettm $0x7FFFFFFF  }
tec
execute0_lowered:
.L_overlay_start_1:
0x0: {  	(tag) =	ssettag $0x1  }
0x1: {  	s1 =	rddreg [dreg:$0x0]  }
0x2: {  	s0 =	rddreg [dreg:$0x1]  }
0x3: {  	s3 =	rddreg [dreg:$0x2]  }
0x4: {  	s2 =	srdreg.scid;
	s4 =	simm.s32 $0x0;
	s11 =	stileid.u32  }
0x5: {  	s12 =	simm.s32 $0xE300;
	s13 =	simm.s32 $0xEB00;
	s14 =	simm.s32 $0xF300  }
0x6: {  	s15 =	simm.s32 $0xFB00;
	s16 =	simm.s32 $0x10300;
	s17 =	simm.s32 $0x10B00  }
0x7: {  	s18 =	simm.s32 $0x1;
	s19 =	simm.s32 $0x2;
	s5 =	smul.u32 $0x50, s11  }
0x8: {  	s20 =	simm.s32 $0x11300;
	s21 =	simm.s32 $0x0;
	s8 =	smul.u32 $0x130, s11  }
0x9: {  	s2 =	sand.u32 $0x1, s2;
	[smem:$0x7FF] =	sst s4;
	s11 =	smul.u32 $0x260, s11  }
0xa: {  	s6 =	ssub.s32 $0x2, s2;
	_ =	strace $0x80000047;
	p0 =	seq.s32 s2, $0x0  }
0xb: {  	s7 =	sshrl.u32 s6, $0x1;
	s9 =	sadd.s32 $0x1300, s5;
	s5 =	simm.s32 $0x26  }
0xc: {  	s10 =	sshll.u32 s9, $0x1;
	s5 =	simm.s32 @!p0 $0xA;
	s7 =	ssub.s32 s6, s7  }
.Ltmp0:
0xd: {  	s9 =	smov.u32 @p0 s8;
	p0 =	sne.s32 s2, $0x0;
	(pc) =	sbr.rel .LBB2_1-.Ltmp0, $4  }
0xe: {  	s8 =	simm.s32 $0xCB00;
	s6 =	sshrl.u32 s5, $0x1;
	s30 =	sadd.s32 s0, s10  }
0xf: {  	v2 =	vlaneseq.u32;
	s0 =	sadd.s32 s0, s11;
	s9 =	sshll.u32 s9, $0x8;
	[dreg:$0x4] =	wrdreg s30  }
0x10: {  	vm0 =	vmmov $0xffff;
	v1 =	vshrl.u32 v2, $0x3;
	s31 =	smax.u32 s7, $0x1;
	s7 =	simm.s32 $0xC300;
	[dreg:$0x5] =	wrdreg s0  }
0x11: {  	v0 =	vand.u32 $0x7, v2;
	v2 =	vor.u32 $0x8, v2;
	v1 =	vmul.u32 $0x8, v1;
	s10 =	simm.s32 $0xD300;
	s11 =	simm.s32 $0xDB00;
	[dreg:$0x6] =	wrdreg s31  }
.LBB2_11:
0x12: {  	s2 =	simm.s32 $0x3  }
0x13: {  	_ =	swait.ge [sflag:s2], $0x1000  }
0x14: {  	s21 =	rddreg [dreg:$0x7]  }
0x15: {  	s0 =	rddreg [dreg:$0x6];
	s21 =	sadd.s32 $0x1, s21  }
0x16: {  	p1 =	sne.s32 s21, s0  }
.Ltmp1:
0x17: {  	_ = 	snop;
	(pc) =	sbr.rel @!p1 .LBB2_12-.Ltmp1, $3  }
0x18: {  	_ =	sdelay $0x1  }
0x19: {  	[sflag:s2] =	ssyncset.done $0x0  }
0x1a: {  	[sflag:s2] =	ssyncadd.s32 $0xFFFFF000  }
.LBB2_1:
0x1b: {  	[dreg:$0x7] =	wrdreg s21  }
0x1c: {  	s21 =	simm.s32 @p0 $0x0;
	s0 =	rddreg [dreg:$0x4]  }
0x1d: {  	[tilespmem:s21], [sflag:$0x4] =	stream.linear.gather @p0 [hbm4b:s0+s21], $0x500, $0x38;
	[tilespmem:$0x12300] =	vst v63  }
0x1e: {  	s21 =	simm.s32 @p0 $0x4  }
0x1f: {  	_ =	swait.ge @p0 [sflag:s21], $0x500  }
0x20: {  	[sflag:s21] =	ssyncset.done @p0 $0x0  }
0x21: {  	s0 =	rddreg [dreg:$0x5];
	[sflag:s21] =	ssyncadd.s32 @p0 $0xFFFFFB00;
	s21 =	simm.s32 @!p0 $0x0  }
0x22: {  	[tilespmem:s21], [sflag:$0x4] =	stream.linear.gather @!p0 [hbm4b:s0+s21], $0x1300, $0x38;
	[tilespmem:$0x12300] =	vst v63  }
0x23: {  	s21 =	simm.s32 @!p0 $0x4  }
0x24: {  	_ =	swait.ge @!p0 [sflag:s21], $0x1300  }
0x25: {  	[sflag:s21] =	ssyncset.done @!p0 $0x0  }
0x26: {  	[sflag:s21] =	ssyncadd.s32 @!p0 $0xFFFFED00  }
0x27: {  	v3 =	vld [tilespmem:$0x0];
	_ =	sdelay $0x4  }
0x28: {  	v4 =	vshll.u32 v3, $0x1  }
0x29: {  	v3 =	vand.u32 $0x7, v3;
	v4 =	vand.u32 $0xFFFFFFF0, v4  }
0x2a: {  	v3 =	vor.u32 v3, v4  }
0x2b: {  	v4 =	vperm.xlane v3, v0;
	_ =	sdelay $0x1  }
0x2c: {  	v3 =	vperm.xlane v3, v2;
	v4 =	vadd.s32 v1, v4;
	_ =	sdelay $0x1  }
0x2d: {  	v3 =	vadd.s32 v1, v3;
	_ =	sdelay $0x1  }
0x2e: {  	s2 =	simm.s32 $0x1300  }
0x2f: {  	[tilespmem:s2], [sflag:$0x1] =	stream.indirect_vreg.gather [hbm4b:s1+s4], $0x80, v4, vm0, $0xb8;
	[tilespmem:$0x12300] =	vst v63  }
0x30: {  	s21 =	simm.s32 $0x1B00  }
0x31: {  	[tilespmem:s21], [sflag:$0x1] =	stream.indirect_vreg.gather [hbm4b:s1+s4], $0x80, v3, vm0, $0xb8;
	[tilespmem:$0x12300] =	vst v63  }
0x32: {  	v3 =	vld [tilespmem:$0x10];
	_ =	sdelay $0x4  }
0x33: {  	v49 =	vshll.u32 v3, $0x1  }
0x34: {  	v3 =	vand.u32 $0x7, v3;
	v4 =	vand.u32 $0xFFFFFFF0, v49  }
0x35: {  	v3 =	vor.u32 v3, v4  }
0x36: {  	v4 =	vperm.xlane v3, v0;
	_ =	sdelay $0x1  }
0x37: {  	v3 =	vperm.xlane v3, v2;
	v4 =	vadd.s32 v1, v4;
	_ =	sdelay $0x1  }
0x38: {  	v3 =	vadd.s32 v1, v3;
	_ =	sdelay $0x1  }
0x39: {  	s22 =	simm.s32 $0x2300  }
0x3a: {  	[tilespmem:s22], [sflag:$0x1] =	stream.indirect_vreg.gather [hbm4b:s1+s4], $0x80, v4, vm0, $0xb8;
	[tilespmem:$0x12300] =	vst v63  }
0x3b: {  	s23 =	simm.s32 $0x2B00  }
0x3c: {  	[tilespmem:s23], [sflag:$0x1] =	stream.indirect_vreg.gather [hbm4b:s1+s4], $0x80, v3, vm0, $0xb8;
	[tilespmem:$0x12300] =	vst v63  }
0x3d: {  	v3 =	vld [tilespmem:$0x20];
	_ =	sdelay $0x4  }
0x3e: {  	v50 =	vshll.u32 v3, $0x1  }
0x3f: {  	v3 =	vand.u32 $0x7, v3;
	v4 =	vand.u32 $0xFFFFFFF0, v50  }
0x40: {  	v3 =	vor.u32 v3, v4  }
0x41: {  	v4 =	vperm.xlane v3, v0;
	_ =	sdelay $0x1  }
0x42: {  	v3 =	vperm.xlane v3, v2;
	v4 =	vadd.s32 v1, v4;
	_ =	sdelay $0x1  }
0x43: {  	v3 =	vadd.s32 v1, v3;
	_ =	sdelay $0x1  }
0x44: {  	s24 =	simm.s32 $0x3300  }
0x45: {  	[tilespmem:s24], [sflag:$0x1] =	stream.indirect_vreg.gather [hbm4b:s1+s4], $0x80, v4, vm0, $0xb8;
	[tilespmem:$0x12300] =	vst v63  }
0x46: {  	s25 =	simm.s32 $0x3B00  }
0x47: {  	[tilespmem:s25], [sflag:$0x1] =	stream.indirect_vreg.gather [hbm4b:s1+s4], $0x80, v3, vm0, $0xb8;
	[tilespmem:$0x12300] =	vst v63  }
0x48: {  	v3 =	vld [tilespmem:$0x30];
	_ =	sdelay $0x4  }
0x49: {  	v51 =	vshll.u32 v3, $0x1  }
0x4a: {  	v3 =	vand.u32 $0x7, v3;
	v4 =	vand.u32 $0xFFFFFFF0, v51  }
0x4b: {  	v3 =	vor.u32 v3, v4  }
0x4c: {  	v4 =	vperm.xlane v3, v0;
	_ =	sdelay $0x1  }
0x4d: {  	v3 =	vperm.xlane v3, v2;
	v4 =	vadd.s32 v1, v4;
	_ =	sdelay $0x1  }
0x4e: {  	v3 =	vadd.s32 v1, v3;
	_ =	sdelay $0x1  }
0x4f: {  	s26 =	simm.s32 $0x4300  }
0x50: {  	[tilespmem:s26], [sflag:$0x1] =	stream.indirect_vreg.gather [hbm4b:s1+s4], $0x80, v4, vm0, $0xb8;
	[tilespmem:$0x12300] =	vst v63  }
0x51: {  	s28 =	simm.s32 $0x4B00  }
0x52: {  	[tilespmem:s28], [sflag:$0x1] =	stream.indirect_vreg.gather [hbm4b:s1+s4], $0x80, v3, vm0, $0xb8;
	[tilespmem:$0x12300] =	vst v63  }
0x53: {  	v3 =	vld [tilespmem:$0x40];
	_ =	sdelay $0x4  }
0x54: {  	v52 =	vshll.u32 v3, $0x1  }
0x55: {  	v3 =	vand.u32 $0x7, v3;
	v4 =	vand.u32 $0xFFFFFFF0, v52  }
0x56: {  	v3 =	vor.u32 v3, v4  }
0x57: {  	v4 =	vperm.xlane v3, v0;
	_ =	sdelay $0x1  }
0x58: {  	v3 =	vperm.xlane v3, v2;
	v4 =	vadd.s32 v1, v4;
	_ =	sdelay $0x1  }
0x59: {  	v3 =	vadd.s32 v1, v3;
	_ =	sdelay $0x1  }
0x5a: {  	s29 =	simm.s32 $0x5300  }
0x5b: {  	[tilespmem:s29], [sflag:$0x1] =	stream.indirect_vreg.gather [hbm4b:s1+s4], $0x80, v4, vm0, $0xb8;
	[tilespmem:$0x12300] =	vst v63  }
0x5c: {  	s30 =	simm.s32 $0x5B00  }
0x5d: {  	[tilespmem:s30], [sflag:$0x1] =	stream.indirect_vreg.gather [hbm4b:s1+s4], $0x80, v3, vm0, $0xb8;
	[tilespmem:$0x12300] =	vst v63  }
0x5e: {  	v3 =	vld [tilespmem:$0x50];
	_ =	sdelay $0x4  }
0x5f: {  	v53 =	vshll.u32 v3, $0x1  }
0x60: {  	v3 =	vand.u32 $0x7, v3;
	v4 =	vand.u32 $0xFFFFFFF0, v53  }
0x61: {  	v3 =	vor.u32 v3, v4  }
0x62: {  	v4 =	vperm.xlane v3, v0;
	_ =	sdelay $0x1  }
0x63: {  	v3 =	vperm.xlane v3, v2;
	v4 =	vadd.s32 v1, v4;
	_ =	sdelay $0x1  }
0x64: {  	v3 =	vadd.s32 v1, v3;
	_ =	sdelay $0x1  }
0x65: {  	s31 =	simm.s32 $0x6300  }
0x66: {  	[tilespmem:s31], [sflag:$0x1] =	stream.indirect_vreg.gather [hbm4b:s1+s4], $0x80, v4, vm0, $0xb8;
	[tilespmem:$0x12300] =	vst v63  }
0x67: {  	s2 =	simm.s32 $0x6B00  }
0x68: {  	[tilespmem:s2], [sflag:$0x1] =	stream.indirect_vreg.gather [hbm4b:s1+s4], $0x80, v3, vm0, $0xb8;
	[tilespmem:$0x12300] =	vst v63  }
0x69: {  	v3 =	vld [tilespmem:$0x60];
	_ =	sdelay $0x4  }
0x6a: {  	v54 =	vshll.u32 v3, $0x1  }
0x6b: {  	v3 =	vand.u32 $0x7, v3;
	v4 =	vand.u32 $0xFFFFFFF0, v54  }
0x6c: {  	v3 =	vor.u32 v3, v4  }
0x6d: {  	v4 =	vperm.xlane v3, v0;
	_ =	sdelay $0x1  }
0x6e: {  	v3 =	vperm.xlane v3, v2;
	v4 =	vadd.s32 v1, v4;
	_ =	sdelay $0x1  }
0x6f: {  	v3 =	vadd.s32 v1, v3;
	_ =	sdelay $0x1  }
0x70: {  	s21 =	simm.s32 $0x7300  }
0x71: {  	[tilespmem:s21], [sflag:$0x1] =	stream.indirect_vreg.gather [hbm4b:s1+s4], $0x80, v4, vm0, $0xb8;
	[tilespmem:$0x12300] =	vst v63  }
0x72: {  	s22 =	simm.s32 $0x7B00  }
0x73: {  	[tilespmem:s22], [sflag:$0x1] =	stream.indirect_vreg.gather [hbm4b:s1+s4], $0x80, v3, vm0, $0xb8;
	[tilespmem:$0x12300] =	vst v63  }
0x74: {  	v3 =	vld [tilespmem:$0x70];
	_ =	sdelay $0x4  }
0x75: {  	v55 =	vshll.u32 v3, $0x1  }
0x76: {  	v3 =	vand.u32 $0x7, v3;
	v4 =	vand.u32 $0xFFFFFFF0, v55  }
0x77: {  	v3 =	vor.u32 v3, v4  }
0x78: {  	v4 =	vperm.xlane v3, v0;
	_ =	sdelay $0x1  }
0x79: {  	v3 =	vperm.xlane v3, v2;
	v4 =	vadd.s32 v1, v4;
	_ =	sdelay $0x1  }
0x7a: {  	v3 =	vadd.s32 v1, v3;
	_ =	sdelay $0x1  }
0x7b: {  	s23 =	simm.s32 $0x8300  }
0x7c: {  	[tilespmem:s23], [sflag:$0x1] =	stream.indirect_vreg.gather [hbm4b:s1+s4], $0x80, v4, vm0, $0xb8;
	[tilespmem:$0x12300] =	vst v63  }
0x7d: {  	s24 =	simm.s32 $0x8B00  }
0x7e: {  	[tilespmem:s24], [sflag:$0x1] =	stream.indirect_vreg.gather [hbm4b:s1+s4], $0x80, v3, vm0, $0xb8;
	[tilespmem:$0x12300] =	vst v63  }
0x7f: {  	v3 =	vld [tilespmem:$0x80];
	_ =	sdelay $0x4  }
0x80: {  	v56 =	vshll.u32 v3, $0x1  }
0x81: {  	v3 =	vand.u32 $0x7, v3;
	v4 =	vand.u32 $0xFFFFFFF0, v56  }
0x82: {  	v3 =	vor.u32 v3, v4  }
0x83: {  	v4 =	vperm.xlane v3, v0;
	_ =	sdelay $0x1  }
0x84: {  	v3 =	vperm.xlane v3, v2;
	v4 =	vadd.s32 v1, v4;
	_ =	sdelay $0x1  }
0x85: {  	v3 =	vadd.s32 v1, v3;
	_ =	sdelay $0x1  }
0x86: {  	s25 =	simm.s32 $0x9300  }
0x87: {  	[tilespmem:s25], [sflag:$0x2] =	stream.indirect_vreg.gather [hbm4b:s1+s4], $0x80, v4, vm0, $0xb8;
	[tilespmem:$0x12300] =	vst v63  }
0x88: {  	s26 =	simm.s32 $0x9B00  }
0x89: {  	[tilespmem:s26], [sflag:$0x2] =	stream.indirect_vreg.gather [hbm4b:s1+s4], $0x80, v3, vm0, $0xb8;
	[tilespmem:$0x12300] =	vst v63  }
0x8a: {  	v3 =	vld [tilespmem:$0x90];
	_ =	sdelay $0x4  }
0x8b: {  	v57 =	vshll.u32 v3, $0x1  }
0x8c: {  	v3 =	vand.u32 $0x7, v3;
	v4 =	vand.u32 $0xFFFFFFF0, v57  }
0x8d: {  	v3 =	vor.u32 v3, v4  }
0x8e: {  	v4 =	vperm.xlane v3, v0;
	_ =	sdelay $0x1  }
0x8f: {  	v3 =	vperm.xlane v3, v2;
	v4 =	vadd.s32 v1, v4;
	_ =	sdelay $0x1  }
0x90: {  	v3 =	vadd.s32 v1, v3;
	_ =	sdelay $0x1  }
0x91: {  	s28 =	simm.s32 $0xA300  }
0x92: {  	[tilespmem:s28], [sflag:$0x2] =	stream.indirect_vreg.gather [hbm4b:s1+s4], $0x80, v4, vm0, $0xb8;
	[tilespmem:$0x12300] =	vst v63  }
0x93: {  	s29 =	simm.s32 $0xAB00  }
0x94: {  	[tilespmem:s29], [sflag:$0x2] =	stream.indirect_vreg.gather [hbm4b:s1+s4], $0x80, v3, vm0, $0xb8;
	[tilespmem:$0x12300] =	vst v63  }
0x95: {  	v3 =	vld [tilespmem:$0xA0];
	_ =	sdelay $0x4  }
0x96: {  	v58 =	vshll.u32 v3, $0x1  }
0x97: {  	v3 =	vand.u32 $0x7, v3;
	v4 =	vand.u32 $0xFFFFFFF0, v58  }
0x98: {  	v3 =	vor.u32 v3, v4  }
0x99: {  	v4 =	vperm.xlane v3, v0;
	_ =	sdelay $0x1  }
0x9a: {  	v3 =	vperm.xlane v3, v2;
	v4 =	vadd.s32 v1, v4;
	_ =	sdelay $0x1  }
0x9b: {  	v3 =	vadd.s32 v1, v3;
	_ =	sdelay $0x1  }
0x9c: {  	s30 =	simm.s32 $0xB300  }
0x9d: {  	[tilespmem:s30], [sflag:$0x2] =	stream.indirect_vreg.gather [hbm4b:s1+s4], $0x80, v4, vm0, $0xb8;
	[tilespmem:$0x12300] =	vst v63  }
0x9e: {  	s31 =	simm.s32 $0xBB00  }
0x9f: {  	[tilespmem:s31], [sflag:$0x2] =	stream.indirect_vreg.gather [hbm4b:s1+s4], $0x80, v3, vm0, $0xb8;
	[tilespmem:$0x12300] =	vst v63  }
0xa0: {  	v3 =	vld [tilespmem:$0xB0];
	_ =	sdelay $0x4  }
0xa1: {  	v59 =	vshll.u32 v3, $0x1  }
0xa2: {  	v3 =	vand.u32 $0x7, v3;
	v4 =	vand.u32 $0xFFFFFFF0, v59  }
0xa3: {  	v3 =	vor.u32 v3, v4  }
0xa4: {  	v4 =	vperm.xlane v3, v0;
	_ =	sdelay $0x1  }
0xa5: {  	v3 =	vperm.xlane v3, v2;
	v4 =	vadd.s32 v1, v4;
	_ =	sdelay $0x1  }
0xa6: {  	v3 =	vadd.s32 v1, v3;
	_ =	sdelay $0x2  }
0xa7: {  	[tilespmem:s7], [sflag:$0x2] =	stream.indirect_vreg.gather [hbm4b:s1+s4], $0x80, v4, vm0, $0xb8;
	[tilespmem:$0x12300] =	vst v63  }
0xa8: {  	_ = 	snop  }
0xa9: {  	[tilespmem:s8], [sflag:$0x2] =	stream.indirect_vreg.gather [hbm4b:s1+s4], $0x80, v3, vm0, $0xb8;
	[tilespmem:$0x12300] =	vst v63  }
0xaa: {  	v3 =	vld [tilespmem:$0xC0];
	_ =	sdelay $0x4  }
0xab: {  	v60 =	vshll.u32 v3, $0x1  }
0xac: {  	v3 =	vand.u32 $0x7, v3;
	v4 =	vand.u32 $0xFFFFFFF0, v60  }
0xad: {  	v3 =	vor.u32 v3, v4  }
0xae: {  	v4 =	vperm.xlane v3, v0;
	_ =	sdelay $0x1  }
0xaf: {  	v3 =	vperm.xlane v3, v2;
	v4 =	vadd.s32 v1, v4;
	_ =	sdelay $0x1  }
0xb0: {  	v3 =	vadd.s32 v1, v3;
	_ =	sdelay $0x2  }
0xb1: {  	[tilespmem:s10], [sflag:$0x2] =	stream.indirect_vreg.gather [hbm4b:s1+s4], $0x80, v4, vm0, $0xb8;
	[tilespmem:$0x12300] =	vst v63  }
0xb2: {  	_ = 	snop  }
0xb3: {  	[tilespmem:s11], [sflag:$0x2] =	stream.indirect_vreg.gather [hbm4b:s1+s4], $0x80, v3, vm0, $0xb8;
	[tilespmem:$0x12300] =	vst v63  }
0xb4: {  	v3 =	vld [tilespmem:$0xD0];
	_ =	sdelay $0x4  }
0xb5: {  	v61 =	vshll.u32 v3, $0x1  }
0xb6: {  	v3 =	vand.u32 $0x7, v3;
	v4 =	vand.u32 $0xFFFFFFF0, v61  }
0xb7: {  	v3 =	vor.u32 v3, v4  }
0xb8: {  	v4 =	vperm.xlane v3, v0;
	_ =	sdelay $0x1  }
0xb9: {  	v3 =	vperm.xlane v3, v2;
	v4 =	vadd.s32 v1, v4;
	_ =	sdelay $0x1  }
0xba: {  	v3 =	vadd.s32 v1, v3;
	_ =	sdelay $0x2  }
0xbb: {  	[tilespmem:s12], [sflag:$0x2] =	stream.indirect_vreg.gather [hbm4b:s1+s4], $0x80, v4, vm0, $0xb8;
	[tilespmem:$0x12300] =	vst v63  }
0xbc: {  	_ = 	snop  }
0xbd: {  	[tilespmem:s13], [sflag:$0x2] =	stream.indirect_vreg.gather [hbm4b:s1+s4], $0x80, v3, vm0, $0xb8;
	[tilespmem:$0x12300] =	vst v63  }
0xbe: {  	v3 =	vld [tilespmem:$0xE0];
	_ =	sdelay $0x4  }
0xbf: {  	v62 =	vshll.u32 v3, $0x1  }
0xc0: {  	v3 =	vand.u32 $0x7, v3;
	v4 =	vand.u32 $0xFFFFFFF0, v62  }
0xc1: {  	v3 =	vor.u32 v3, v4  }
0xc2: {  	v4 =	vperm.xlane v3, v0;
	_ =	sdelay $0x1  }
0xc3: {  	v3 =	vperm.xlane v3, v2;
	v4 =	vadd.s32 v1, v4;
	_ =	sdelay $0x1  }
0xc4: {  	v3 =	vadd.s32 v1, v3;
	_ =	sdelay $0x2  }
0xc5: {  	[tilespmem:s14], [sflag:$0x2] =	stream.indirect_vreg.gather [hbm4b:s1+s4], $0x80, v4, vm0, $0xb8;
	[tilespmem:$0x12300] =	vst v63  }
0xc6: {  	_ = 	snop  }
0xc7: {  	[tilespmem:s15], [sflag:$0x2] =	stream.indirect_vreg.gather [hbm4b:s1+s4], $0x80, v3, vm0, $0xb8;
	[tilespmem:$0x12300] =	vst v63  }
0xc8: {  	v3 =	vld [tilespmem:$0xF0];
	_ =	sdelay $0x4  }
0xc9: {  	v63 =	vshll.u32 v3, $0x1  }
0xca: {  	v3 =	vand.u32 $0x7, v3;
	v4 =	vand.u32 $0xFFFFFFF0, v63  }
0xcb: {  	v3 =	vor.u32 v3, v4  }
0xcc: {  	v4 =	vperm.xlane v3, v0;
	_ =	sdelay $0x1  }
0xcd: {  	v3 =	vperm.xlane v3, v2;
	v4 =	vadd.s32 v1, v4;
	_ =	sdelay $0x1  }
0xce: {  	v3 =	vadd.s32 v1, v3  }
.Ltmp2:
0xcf: {  	_ = 	snop;
	(pc) =	sbr.rel .LBB2_2-.Ltmp2, $4  }
0xd0: {  	_ = 	snop  }
0xd1: {  	[tilespmem:s16], [sflag:$0x2] =	stream.indirect_vreg.gather [hbm4b:s1+s4], $0x80, v4, vm0, $0xb8;
	[tilespmem:$0x12300] =	vst v63  }
0xd2: {  	s21 =	simm.s32 $0x0  }
0xd3: {  	[tilespmem:s17], [sflag:$0x2] =	stream.indirect_vreg.gather [hbm4b:s1+s4], $0x80, v3, vm0, $0xb8;
	[tilespmem:$0x12300] =	vst v63  }
.LBB2_10:
0xd4: {  	s0 =	sshll.u32 s21, $0xC;
	s21 =	sadd.s32 $0x1, s21  }
0xd5: {  	p1 =	sne.s32 s21, s6  }
.Ltmp3:
0xd6: {  	_ = 	snop;
	(pc) =	sbr.rel @!p1 .LBB2_11-.Ltmp3, $4  }
0xd7: {  	s0 =	sadd.s32 s9, s0  }
0xd8: {  	s0 =	sshrl.u32 s0, $0x3  }
0xd9: {  	s0 =	sadd.s32 s3, s0  }
0xda: {  	[hbm4b:s0+s4] =	stream.linear.scatter [tilespmem:s20], [sflag:$0x3], $0x1000, $0x38;
	[tilespmem:$0x12300] =	vst v63  }
.LBB2_2:
0xdb: {  	p1 =	seq.s32 s21, $0x0  }
0xdc: {  	s22 =	simm.s32 @!p1 $0x3  }
0xdd: {  	_ =	swait.ge @!p1 [sflag:s22], $0x1000  }
0xde: {  	[sflag:s22] =	ssyncset.done @!p1 $0x0  }
0xdf: {  	s26 =	simm.s32 $0x0;
	s23 =	simm.s32 $0x0;
	[sflag:s22] =	ssyncadd.s32 @!p1 $0xFFFFF000  }
0xe0: {  	s28 =	sand.u32 $0x400, s26;
	s23 =	sand.u32 $0x3FFFF000, s23;
	_ =	swait.ge [sflag:s18], $0x8000  }
0xe1: {  	s30 =	sand.u32 $0x70, s26;
	s31 =	sor.u32 s28, s23;
	[sflag:s18] =	ssyncset.done $0x0  }
0xe2: {  	s29 =	sor.u32 s30, s31;
	[sflag:s18] =	ssyncadd.s32 $0xFFFF8000  }
0xe3: {  	v4 =	vld [tilespmem:s29+$0x1300]  }
0xe4: {  	v5 =	vld [tilespmem:s29+$0x1380]  }
0xe5: {  	v6 =	vld [tilespmem:s29+$0x1400]  }
0xe6: {  	v8 =	vld [tilespmem:s29+$0x1480]  }
0xe7: {  	v9 =	vld [tilespmem:s29+$0x1500]  }
0xe8: {  	v10 =	vld [tilespmem:s29+$0x1580]  }
0xe9: {  	v11 =	vld [tilespmem:s29+$0x1600]  }
0xea: {  	v12 =	vld [tilespmem:s29+$0x1680]  }
0xeb: {  	v13 =	vld [tilespmem:s29+$0x1B00]  }
0xec: {  	v14 =	vld [tilespmem:s29+$0x1B80]  }
0xed: {  	v15 =	vld [tilespmem:s29+$0x1C00]  }
0xee: {  	v16 =	vld [tilespmem:s29+$0x1C80]  }
0xef: {  	s24 =	simm.s32 $0x100;
	s22 =	simm.s32 $0x80;
	v17 =	vld [tilespmem:s29+$0x1D00]  }
0xf0: {  	s25 =	simm.s32 $0x10;
	s26 =	sand.u32 $0x3FFFF000, s24;
	s23 =	sand.u32 $0x400, s22;
	v18 =	vld [tilespmem:s29+$0x1D80]  }
0xf1: {  	s24 =	sand.u32 $0x70, s25;
	s26 =	sor.u32 s23, s26;
	v19 =	vld [tilespmem:s29+$0x1E00]  }
0xf2: {  	s26 =	sor.u32 s24, s26;
	v20 =	vld [tilespmem:s29+$0x1E80]  }
0xf3: {  	v7 =	vld [tilespmem:s26+$0x1300]  }
0xf4: {  	v3 =	vld [tilespmem:s26+$0x1380];
	v21 =	vadd.f32 v5, v4;
	v22 =	vadd.f32 v8, v6  }
0xf5: {  	v4 =	vld [tilespmem:s26+$0x1400];
	v9 =	vadd.f32 v10, v9;
	v10 =	vadd.f32 v12, v11  }
0xf6: {  	v5 =	vld [tilespmem:s26+$0x1480];
	v11 =	vadd.f32 v14, v13;
	v12 =	vadd.f32 v16, v15  }
0xf7: {  	v6 =	vld [tilespmem:s26+$0x1500];
	v13 =	vadd.f32 v18, v17;
	v14 =	vadd.f32 v20, v19  }
0xf8: {  	v8 =	vld [tilespmem:s26+$0x1580];
	v15 =	vadd.f32 v22, v21;
	v16 =	vadd.f32 v10, v9  }
0xf9: {  	v9 =	vld [tilespmem:s26+$0x1600];
	v12 =	vadd.f32 v12, v11;
	v13 =	vadd.f32 v14, v13  }
0xfa: {  	v11 =	vld [tilespmem:s26+$0x1680]  }
0xfb: {  	s29 =	simm.s32 $0x0;
	v10 =	vld [tilespmem:s26+$0x1B00];
	v14 =	vadd.f32 v16, v15;
	v15 =	vadd.f32 v13, v12  }
0xfc: {  	s29 =	sand.u32 $0x3FFFFF80, s29;
	v12 =	vld [tilespmem:s26+$0x1B80]  }
0xfd: {  	s31 =	sadd.s32 s28, s29;
	v13 =	vld [tilespmem:s26+$0x1C00];
	v15 =	vadd.f32 v15, v14  }
0xfe: {  	s28 =	simm.s32 $0x1;
	s29 =	simm.s32 $0x2;
	s30 =	sor.u32 s30, s31;
	v14 =	vld [tilespmem:s26+$0x1C80]  }
.LBB2_3:
0xff: {  	s31 =	sshll.u32 s29, $0x8;
	p1 =	sne.s32 s29, $0x7F;
	v16 =	vld [tilespmem:s26+$0x1D00];
	s22 =	sadd.s32 $0x80, s22;
	[tilespmem:s30+$0x11300] =	vst v15  }
0x100: {  	s25 =	sadd.s32 $0x10, s25;
	s30 =	sand.u32 $0x400, s22;
	s31 =	sand.u32 $0x3FFFF000, s31;
	v15 =	vld [tilespmem:s26+$0x1D80]  }
0x101: {  	s0 =	sand.u32 $0x70, s25;
	s31 =	sor.u32 s30, s31;
	v17 =	vld [tilespmem:s26+$0x1E00]  }
0x102: {  	v18 =	vld [tilespmem:s26+$0x1E80];
	s26 =	sor.u32 s0, s31  }
0x103: {  	v19 =	vld [tilespmem:s26+$0x1300]  }
0x104: {  	v7 =	vadd.f32 v3, v7;
	v20 =	vadd.f32 v5, v4;
	v3 =	vld [tilespmem:s26+$0x1380]  }
0x105: {  	v21 =	vadd.f32 v8, v6;
	v9 =	vadd.f32 v11, v9;
	v4 =	vld [tilespmem:s26+$0x1400]  }
0x106: {  	v10 =	vadd.f32 v12, v10;
	v11 =	vadd.f32 v14, v13;
	v5 =	vld [tilespmem:s26+$0x1480]  }
0x107: {  	v12 =	vadd.f32 v15, v16;
	v6 =	vld [tilespmem:s26+$0x1500];
	v13 =	vadd.f32 v18, v17  }
0x108: {  	v14 =	vadd.f32 v20, v7;
	v15 =	vadd.f32 v9, v21;
	v8 =	vld [tilespmem:s26+$0x1580];
	v7 =	vmov v19  }
0x109: {  	v16 =	vadd.f32 v11, v10;
	v9 =	vld [tilespmem:s26+$0x1600];
	v12 =	vadd.f32 v13, v12  }
.Ltmp4:
0x10a: {  	v11 =	vld [tilespmem:s26+$0x1680];
	(pc) =	sbr.rel @p1 .LBB2_3-.Ltmp4, $4  }
0x10b: {  	s31 =	sshll.u32 s28, $0x3;
	s28 =	smov.u32 s29;
	v14 =	vadd.f32 v15, v14;
	v10 =	vld [tilespmem:s26+$0x1B00];
	v15 =	vadd.f32 v12, v16  }
0x10c: {  	s31 =	sand.u32 $0x3FFFFF80, s31;
	v12 =	vld [tilespmem:s26+$0x1B80]  }
0x10d: {  	s31 =	sadd.s32 s23, s31;
	s23 =	smov.u32 s30;
	v13 =	vld [tilespmem:s26+$0x1C00];
	v15 =	vadd.f32 v15, v14  }
0x10e: {  	s29 =	sadd.s32 $0x1, s29;
	s30 =	sor.u32 s24, s31;
	s24 =	smov.u32 s0;
	v14 =	vld [tilespmem:s26+$0x1C80]  }
0x10f: {  	v16 =	vld [tilespmem:s26+$0x1D00]  }
0x110: {  	v17 =	vld [tilespmem:s26+$0x1D80]  }
0x111: {  	v18 =	vld [tilespmem:s26+$0x1E00]  }
0x112: {  	v19 =	vld [tilespmem:s26+$0x1E80];
	_ =	sdelay $0x1  }
0x113: {  	v3 =	vadd.f32 v3, v7;
	v4 =	vadd.f32 v5, v4  }
0x114: {  	v54 =	vadd.f32 v8, v6;
	v55 =	vadd.f32 v11, v9  }
0x115: {  	v56 =	vadd.f32 v12, v10;
	v57 =	vadd.f32 v14, v13  }
0x116: {  	s0 =	sshll.u32 s28, $0x3;
	v58 =	vadd.f32 v17, v16;
	v59 =	vadd.f32 v19, v18  }
0x117: {  	s22 =	sshll.u32 s21, $0x1;
	s0 =	sand.u32 $0x3FFFFF80, s0;
	v3 =	vadd.f32 v4, v3;
	v60 =	vadd.f32 v55, v54  }
0x118: {  	s0 =	sadd.s32 s23, s0;
	s23 =	sadd.s32 $0x2, s22;
	v61 =	vadd.f32 v57, v56;
	v62 =	vadd.f32 v59, v58  }
0x119: {  	p1 =	sge.u32 s23, s5  }
.Ltmp5:
0x11a: {  	v3 =	vadd.f32 v60, v3;
	v63 =	vadd.f32 v62, v61;
	(pc) =	sbr.rel @p1 .LBB2_6-.Ltmp5, $4  }
0x11b: {  	_ = 	snop  }
0x11c: {  	v3 =	vadd.f32 v63, v3  }
0x11d: {  	[tilespmem:s30+$0x11300] =	vst v15;
	s0 =	sor.u32 s24, s0  }
0x11e: {  	[tilespmem:s0+$0x11300] =	vst v3  }
0x11f: {  	s0 =	sshll.u32 s23, $0x7  }
0x120: {  	s23 =	sand.u32 $0x3FFFFF80, s0  }
0x121: {  	v3 =	vld [tilespmem:s23+$0x0];
	_ =	sdelay $0x4  }
0x122: {  	v4 =	vshll.u32 v3, $0x1  }
0x123: {  	v3 =	vand.u32 $0x7, v3;
	v4 =	vand.u32 $0xFFFFFFF0, v4  }
0x124: {  	v3 =	vor.u32 v3, v4  }
0x125: {  	v4 =	vperm.xlane v3, v0;
	_ =	sdelay $0x1  }
0x126: {  	v3 =	vperm.xlane v3, v2;
	v4 =	vadd.s32 v1, v4;
	_ =	sdelay $0x1  }
0x127: {  	v3 =	vadd.s32 v1, v3;
	_ =	sdelay $0x1  }
0x128: {  	s2 =	simm.s32 $0x1300  }
0x129: {  	[tilespmem:s2], [sflag:$0x1] =	stream.indirect_vreg.gather [hbm4b:s1+s4], $0x80, v4, vm0, $0xb8;
	[tilespmem:$0x12300] =	vst v63  }
0x12a: {  	s24 =	simm.s32 $0x1B00  }
0x12b: {  	[tilespmem:s24], [sflag:$0x1] =	stream.indirect_vreg.gather [hbm4b:s1+s4], $0x80, v3, vm0, $0xb8;
	[tilespmem:$0x12300] =	vst v63  }
0x12c: {  	v3 =	vld [tilespmem:s23+$0x10];
	_ =	sdelay $0x4  }
0x12d: {  	v57 =	vshll.u32 v3, $0x1  }
0x12e: {  	v3 =	vand.u32 $0x7, v3;
	v4 =	vand.u32 $0xFFFFFFF0, v57  }
0x12f: {  	v3 =	vor.u32 v3, v4  }
0x130: {  	v4 =	vperm.xlane v3, v0;
	_ =	sdelay $0x1  }
0x131: {  	v3 =	vperm.xlane v3, v2;
	v4 =	vadd.s32 v1, v4;
	_ =	sdelay $0x1  }
0x132: {  	v3 =	vadd.s32 v1, v3;
	_ =	sdelay $0x1  }
0x133: {  	s25 =	simm.s32 $0x2300  }
0x134: {  	[tilespmem:s25], [sflag:$0x1] =	stream.indirect_vreg.gather [hbm4b:s1+s4], $0x80, v4, vm0, $0xb8;
	[tilespmem:$0x12300] =	vst v63  }
0x135: {  	s26 =	simm.s32 $0x2B00  }
0x136: {  	[tilespmem:s26], [sflag:$0x1] =	stream.indirect_vreg.gather [hbm4b:s1+s4], $0x80, v3, vm0, $0xb8;
	[tilespmem:$0x12300] =	vst v63  }
0x137: {  	v3 =	vld [tilespmem:s23+$0x20];
	_ =	sdelay $0x4  }
0x138: {  	v58 =	vshll.u32 v3, $0x1  }
0x139: {  	v3 =	vand.u32 $0x7, v3;
	v4 =	vand.u32 $0xFFFFFFF0, v58  }
0x13a: {  	v3 =	vor.u32 v3, v4  }
0x13b: {  	v4 =	vperm.xlane v3, v0;
	_ =	sdelay $0x1  }
0x13c: {  	v3 =	vperm.xlane v3, v2;
	v4 =	vadd.s32 v1, v4;
	_ =	sdelay $0x1  }
0x13d: {  	v3 =	vadd.s32 v1, v3;
	_ =	sdelay $0x1  }
0x13e: {  	s28 =	simm.s32 $0x3300  }
0x13f: {  	[tilespmem:s28], [sflag:$0x1] =	stream.indirect_vreg.gather [hbm4b:s1+s4], $0x80, v4, vm0, $0xb8;
	[tilespmem:$0x12300] =	vst v63  }
0x140: {  	s29 =	simm.s32 $0x3B00  }
0x141: {  	[tilespmem:s29], [sflag:$0x1] =	stream.indirect_vreg.gather [hbm4b:s1+s4], $0x80, v3, vm0, $0xb8;
	[tilespmem:$0x12300] =	vst v63  }
0x142: {  	v3 =	vld [tilespmem:s23+$0x30];
	_ =	sdelay $0x4  }
0x143: {  	v59 =	vshll.u32 v3, $0x1  }
0x144: {  	v3 =	vand.u32 $0x7, v3;
	v4 =	vand.u32 $0xFFFFFFF0, v59  }
0x145: {  	v3 =	vor.u32 v3, v4  }
0x146: {  	v4 =	vperm.xlane v3, v0;
	_ =	sdelay $0x1  }
0x147: {  	v3 =	vperm.xlane v3, v2;
	v4 =	vadd.s32 v1, v4;
	_ =	sdelay $0x1  }
0x148: {  	v3 =	vadd.s32 v1, v3;
	_ =	sdelay $0x1  }
0x149: {  	s30 =	simm.s32 $0x4300  }
0x14a: {  	[tilespmem:s30], [sflag:$0x1] =	stream.indirect_vreg.gather [hbm4b:s1+s4], $0x80, v4, vm0, $0xb8;
	[tilespmem:$0x12300] =	vst v63  }
0x14b: {  	s31 =	simm.s32 $0x4B00  }
0x14c: {  	[tilespmem:s31], [sflag:$0x1] =	stream.indirect_vreg.gather [hbm4b:s1+s4], $0x80, v3, vm0, $0xb8;
	[tilespmem:$0x12300] =	vst v63  }
0x14d: {  	v3 =	vld [tilespmem:s23+$0x40];
	_ =	sdelay $0x4  }
0x14e: {  	v60 =	vshll.u32 v3, $0x1  }
0x14f: {  	v3 =	vand.u32 $0x7, v3;
	v4 =	vand.u32 $0xFFFFFFF0, v60  }
0x150: {  	v3 =	vor.u32 v3, v4  }
0x151: {  	v4 =	vperm.xlane v3, v0;
	_ =	sdelay $0x1  }
0x152: {  	v3 =	vperm.xlane v3, v2;
	v4 =	vadd.s32 v1, v4;
	_ =	sdelay $0x1  }
0x153: {  	v3 =	vadd.s32 v1, v3;
	_ =	sdelay $0x1  }
0x154: {  	s2 =	simm.s32 $0x5300  }
0x155: {  	[tilespmem:s2], [sflag:$0x1] =	stream.indirect_vreg.gather [hbm4b:s1+s4], $0x80, v4, vm0, $0xb8;
	[tilespmem:$0x12300] =	vst v63  }
0x156: {  	s24 =	simm.s32 $0x5B00  }
0x157: {  	[tilespmem:s24], [sflag:$0x1] =	stream.indirect_vreg.gather [hbm4b:s1+s4], $0x80, v3, vm0, $0xb8;
	[tilespmem:$0x12300] =	vst v63  }
0x158: {  	v3 =	vld [tilespmem:s23+$0x50];
	_ =	sdelay $0x4  }
0x159: {  	v61 =	vshll.u32 v3, $0x1  }
0x15a: {  	v3 =	vand.u32 $0x7, v3;
	v4 =	vand.u32 $0xFFFFFFF0, v61  }
0x15b: {  	v3 =	vor.u32 v3, v4  }
0x15c: {  	v4 =	vperm.xlane v3, v0;
	_ =	sdelay $0x1  }
0x15d: {  	v3 =	vperm.xlane v3, v2;
	v4 =	vadd.s32 v1, v4;
	_ =	sdelay $0x1  }
0x15e: {  	v3 =	vadd.s32 v1, v3;
	_ =	sdelay $0x1  }
0x15f: {  	s25 =	simm.s32 $0x6300  }
0x160: {  	[tilespmem:s25], [sflag:$0x1] =	stream.indirect_vreg.gather [hbm4b:s1+s4], $0x80, v4, vm0, $0xb8;
	[tilespmem:$0x12300] =	vst v63  }
0x161: {  	s26 =	simm.s32 $0x6B00  }
0x162: {  	[tilespmem:s26], [sflag:$0x1] =	stream.indirect_vreg.gather [hbm4b:s1+s4], $0x80, v3, vm0, $0xb8;
	[tilespmem:$0x12300] =	vst v63  }
0x163: {  	v3 =	vld [tilespmem:s23+$0x60];
	_ =	sdelay $0x4  }
0x164: {  	v62 =	vshll.u32 v3, $0x1  }
0x165: {  	v3 =	vand.u32 $0x7, v3;
	v4 =	vand.u32 $0xFFFFFFF0, v62  }
0x166: {  	v3 =	vor.u32 v3, v4  }
0x167: {  	v4 =	vperm.xlane v3, v0;
	_ =	sdelay $0x1  }
0x168: {  	v3 =	vperm.xlane v3, v2;
	v4 =	vadd.s32 v1, v4;
	_ =	sdelay $0x1  }
0x169: {  	v3 =	vadd.s32 v1, v3;
	_ =	sdelay $0x1  }
0x16a: {  	s28 =	simm.s32 $0x7300  }
0x16b: {  	[tilespmem:s28], [sflag:$0x1] =	stream.indirect_vreg.gather [hbm4b:s1+s4], $0x80, v4, vm0, $0xb8;
	[tilespmem:$0x12300] =	vst v63  }
0x16c: {  	s29 =	simm.s32 $0x7B00  }
0x16d: {  	[tilespmem:s29], [sflag:$0x1] =	stream.indirect_vreg.gather [hbm4b:s1+s4], $0x80, v3, vm0, $0xb8;
	[tilespmem:$0x12300] =	vst v63  }
0x16e: {  	v3 =	vld [tilespmem:s23+$0x70];
	_ =	sdelay $0x4  }
0x16f: {  	v63 =	vshll.u32 v3, $0x1  }
0x170: {  	v3 =	vand.u32 $0x7, v3;
	v4 =	vand.u32 $0xFFFFFFF0, v63  }
0x171: {  	v3 =	vor.u32 v3, v4  }
0x172: {  	v4 =	vperm.xlane v3, v0;
	_ =	sdelay $0x1  }
0x173: {  	v3 =	vperm.xlane v3, v2;
	v4 =	vadd.s32 v1, v4;
	_ =	sdelay $0x1  }
0x174: {  	v3 =	vadd.s32 v1, v3;
	_ =	sdelay $0x1  }
0x175: {  	s30 =	simm.s32 $0x8300  }
0x176: {  	[tilespmem:s30], [sflag:$0x1] =	stream.indirect_vreg.gather [hbm4b:s1+s4], $0x80, v4, vm0, $0xb8;
	[tilespmem:$0x12300] =	vst v63  }
0x177: {  	s31 =	simm.s32 $0x8B00  }
0x178: {  	[tilespmem:s31], [sflag:$0x1] =	stream.indirect_vreg.gather [hbm4b:s1+s4], $0x80, v3, vm0, $0xb8;
	[tilespmem:$0x12300] =	vst v63  }
.LBB2_6:
0x179: {  	s0 =	simm.s32 $0x0;
	s23 =	simm.s32 $0x0  }
0x17a: {  	_ =	swait.ge [sflag:s19], $0x8000;
	s29 =	sand.u32 $0x400, s0;
	s23 =	sand.u32 $0x3FFFF000, s23  }
0x17b: {  	[sflag:s19] =	ssyncset.done $0x0;
	s0 =	sand.u32 $0x70, s0;
	s23 =	sor.u32 s29, s23  }
0x17c: {  	[sflag:s19] =	ssyncadd.s32 $0xFFFF8000;
	s30 =	sor.u32 s0, s23  }
0x17d: {  	v4 =	vld [tilespmem:s30+$0x9300]  }
0x17e: {  	v5 =	vld [tilespmem:s30+$0x9380]  }
0x17f: {  	v6 =	vld [tilespmem:s30+$0x9400]  }
0x180: {  	v8 =	vld [tilespmem:s30+$0x9480]  }
0x181: {  	v9 =	vld [tilespmem:s30+$0x9500]  }
0x182: {  	v10 =	vld [tilespmem:s30+$0x9580]  }
0x183: {  	v11 =	vld [tilespmem:s30+$0x9600]  }
0x184: {  	v12 =	vld [tilespmem:s30+$0x9680]  }
0x185: {  	v13 =	vld [tilespmem:s30+$0x9B00]  }
0x186: {  	v14 =	vld [tilespmem:s30+$0x9B80]  }
0x187: {  	v15 =	vld [tilespmem:s30+$0x9C00]  }
0x188: {  	v16 =	vld [tilespmem:s30+$0x9C80]  }
0x189: {  	s24 =	simm.s32 $0x100;
	s25 =	simm.s32 $0x80;
	v17 =	vld [tilespmem:s30+$0x9D00]  }
0x18a: {  	s26 =	simm.s32 $0x10;
	s28 =	sand.u32 $0x3FFFF000, s24;
	s23 =	sand.u32 $0x400, s25;
	v18 =	vld [tilespmem:s30+$0x9D80]  }
0x18b: {  	s24 =	sand.u32 $0x70, s26;
	s28 =	sor.u32 s23, s28;
	v19 =	vld [tilespmem:s30+$0x9E00]  }
0x18c: {  	v20 =	vld [tilespmem:s30+$0x9E80];
	s28 =	sor.u32 s24, s28  }
0x18d: {  	v7 =	vld [tilespmem:s28+$0x9300]  }
0x18e: {  	v3 =	vld [tilespmem:s28+$0x9380];
	v21 =	vadd.f32 v5, v4;
	v22 =	vadd.f32 v8, v6  }
0x18f: {  	v4 =	vld [tilespmem:s28+$0x9400];
	v9 =	vadd.f32 v10, v9;
	v10 =	vadd.f32 v12, v11  }
0x190: {  	v5 =	vld [tilespmem:s28+$0x9480];
	v11 =	vadd.f32 v14, v13;
	v12 =	vadd.f32 v16, v15  }
0x191: {  	v6 =	vld [tilespmem:s28+$0x9500];
	v13 =	vadd.f32 v18, v17;
	v14 =	vadd.f32 v20, v19  }
0x192: {  	v8 =	vld [tilespmem:s28+$0x9580];
	v15 =	vadd.f32 v22, v21;
	v16 =	vadd.f32 v10, v9  }
0x193: {  	v9 =	vld [tilespmem:s28+$0x9600];
	v12 =	vadd.f32 v12, v11;
	v13 =	vadd.f32 v14, v13  }
0x194: {  	v11 =	vld [tilespmem:s28+$0x9680]  }
0x195: {  	s30 =	simm.s32 $0x0;
	v10 =	vld [tilespmem:s28+$0x9B00];
	v14 =	vadd.f32 v16, v15;
	v15 =	vadd.f32 v13, v12  }
0x196: {  	s30 =	sand.u32 $0x3FFFFF80, s30;
	v12 =	vld [tilespmem:s28+$0x9B80]  }
0x197: {  	s31 =	sadd.s32 s29, s30;
	v13 =	vld [tilespmem:s28+$0x9C00];
	v15 =	vadd.f32 v15, v14  }
0x198: {  	s29 =	simm.s32 $0x1;
	s30 =	simm.s32 $0x2;
	s31 =	sor.u32 s0, s31;
	v14 =	vld [tilespmem:s28+$0x9C80]  }
.LBB2_7:
0x199: {  	s0 =	sshll.u32 s30, $0x8;
	p1 =	sne.s32 s30, $0x7F;
	v16 =	vld [tilespmem:s28+$0x9D00];
	s25 =	sadd.s32 $0x80, s25;
	[tilespmem:s31+$0x11B00] =	vst v15  }
0x19a: {  	s26 =	sadd.s32 $0x10, s26;
	s31 =	sand.u32 $0x400, s25;
	s0 =	sand.u32 $0x3FFFF000, s0;
	v15 =	vld [tilespmem:s28+$0x9D80]  }
0x19b: {  	s2 =	sand.u32 $0x70, s26;
	s0 =	sor.u32 s31, s0;
	v17 =	vld [tilespmem:s28+$0x9E00]  }
0x19c: {  	v18 =	vld [tilespmem:s28+$0x9E80];
	s28 =	sor.u32 s2, s0  }
0x19d: {  	v19 =	vld [tilespmem:s28+$0x9300]  }
0x19e: {  	v7 =	vadd.f32 v3, v7;
	v20 =	vadd.f32 v5, v4;
	v3 =	vld [tilespmem:s28+$0x9380]  }
0x19f: {  	v21 =	vadd.f32 v8, v6;
	v9 =	vadd.f32 v11, v9;
	v4 =	vld [tilespmem:s28+$0x9400]  }
0x1a0: {  	v10 =	vadd.f32 v12, v10;
	v11 =	vadd.f32 v14, v13;
	v5 =	vld [tilespmem:s28+$0x9480]  }
0x1a1: {  	v12 =	vadd.f32 v15, v16;
	v6 =	vld [tilespmem:s28+$0x9500];
	v13 =	vadd.f32 v18, v17  }
0x1a2: {  	v14 =	vadd.f32 v20, v7;
	v15 =	vadd.f32 v9, v21;
	v8 =	vld [tilespmem:s28+$0x9580];
	v7 =	vmov v19  }
0x1a3: {  	v16 =	vadd.f32 v11, v10;
	v9 =	vld [tilespmem:s28+$0x9600];
	v12 =	vadd.f32 v13, v12  }
.Ltmp6:
0x1a4: {  	v11 =	vld [tilespmem:s28+$0x9680];
	(pc) =	sbr.rel @p1 .LBB2_7-.Ltmp6, $4  }
0x1a5: {  	s0 =	sshll.u32 s29, $0x3;
	s29 =	smov.u32 s30;
	v14 =	vadd.f32 v15, v14;
	v10 =	vld [tilespmem:s28+$0x9B00];
	v15 =	vadd.f32 v12, v16  }
0x1a6: {  	s0 =	sand.u32 $0x3FFFFF80, s0;
	v12 =	vld [tilespmem:s28+$0x9B80]  }
0x1a7: {  	s0 =	sadd.s32 s23, s0;
	s23 =	smov.u32 s31;
	v13 =	vld [tilespmem:s28+$0x9C00];
	v15 =	vadd.f32 v15, v14  }
0x1a8: {  	s30 =	sadd.s32 $0x1, s30;
	s31 =	sor.u32 s24, s0;
	s24 =	smov.u32 s2;
	v14 =	vld [tilespmem:s28+$0x9C80]  }
0x1a9: {  	v16 =	vld [tilespmem:s28+$0x9D00]  }
0x1aa: {  	v17 =	vld [tilespmem:s28+$0x9D80]  }
0x1ab: {  	v18 =	vld [tilespmem:s28+$0x9E00]  }
0x1ac: {  	v19 =	vld [tilespmem:s28+$0x9E80];
	_ =	sdelay $0x1  }
0x1ad: {  	v3 =	vadd.f32 v3, v7;
	v4 =	vadd.f32 v5, v4  }
0x1ae: {  	v54 =	vadd.f32 v8, v6;
	v55 =	vadd.f32 v11, v9  }
0x1af: {  	v56 =	vadd.f32 v12, v10;
	v57 =	vadd.f32 v14, v13  }
0x1b0: {  	v58 =	vadd.f32 v17, v16;
	v59 =	vadd.f32 v19, v18  }
0x1b1: {  	v3 =	vadd.f32 v4, v3;
	v60 =	vadd.f32 v55, v54  }
0x1b2: {  	s22 =	sadd.s32 $0x3, s22;
	v61 =	vadd.f32 v57, v56;
	v62 =	vadd.f32 v59, v58  }
0x1b3: {  	p1 =	sge.u32 s22, s5  }
.Ltmp7:
0x1b4: {  	s0 =	sshll.u32 s29, $0x3;
	v3 =	vadd.f32 v60, v3;
	v63 =	vadd.f32 v62, v61;
	(pc) =	sbr.rel @p1 .LBB2_10-.Ltmp7, $4  }
0x1b5: {  	s0 =	sand.u32 $0x3FFFFF80, s0  }
0x1b6: {  	s0 =	sadd.s32 s23, s0;
	v3 =	vadd.f32 v63, v3  }
0x1b7: {  	[tilespmem:s31+$0x11B00] =	vst v15;
	s0 =	sor.u32 s24, s0  }
0x1b8: {  	[tilespmem:s0+$0x11B00] =	vst v3  }
0x1b9: {  	s0 =	sshll.u32 s22, $0x7  }
0x1ba: {  	s22 =	sand.u32 $0x3FFFFF80, s0  }
0x1bb: {  	v3 =	vld [tilespmem:s22+$0x0];
	_ =	sdelay $0x4  }
0x1bc: {  	v4 =	vshll.u32 v3, $0x1  }
0x1bd: {  	v3 =	vand.u32 $0x7, v3;
	v4 =	vand.u32 $0xFFFFFFF0, v4  }
0x1be: {  	v3 =	vor.u32 v3, v4  }
0x1bf: {  	v4 =	vperm.xlane v3, v0;
	_ =	sdelay $0x1  }
0x1c0: {  	v3 =	vperm.xlane v3, v2;
	v4 =	vadd.s32 v1, v4;
	_ =	sdelay $0x1  }
0x1c1: {  	v3 =	vadd.s32 v1, v3;
	_ =	sdelay $0x1  }
0x1c2: {  	s25 =	simm.s32 $0x9300  }
0x1c3: {  	[tilespmem:s25], [sflag:$0x2] =	stream.indirect_vreg.gather [hbm4b:s1+s4], $0x80, v4, vm0, $0xb8;
	[tilespmem:$0x12300] =	vst v63  }
0x1c4: {  	s26 =	simm.s32 $0x9B00  }
0x1c5: {  	[tilespmem:s26], [sflag:$0x2] =	stream.indirect_vreg.gather [hbm4b:s1+s4], $0x80, v3, vm0, $0xb8;
	[tilespmem:$0x12300] =	vst v63  }
0x1c6: {  	v3 =	vld [tilespmem:s22+$0x10];
	_ =	sdelay $0x4  }
0x1c7: {  	v57 =	vshll.u32 v3, $0x1  }
0x1c8: {  	v3 =	vand.u32 $0x7, v3;
	v4 =	vand.u32 $0xFFFFFFF0, v57  }
0x1c9: {  	v3 =	vor.u32 v3, v4  }
0x1ca: {  	v4 =	vperm.xlane v3, v0;
	_ =	sdelay $0x1  }
0x1cb: {  	v3 =	vperm.xlane v3, v2;
	v4 =	vadd.s32 v1, v4;
	_ =	sdelay $0x1  }
0x1cc: {  	v3 =	vadd.s32 v1, v3;
	_ =	sdelay $0x1  }
0x1cd: {  	s28 =	simm.s32 $0xA300  }
0x1ce: {  	[tilespmem:s28], [sflag:$0x2] =	stream.indirect_vreg.gather [hbm4b:s1+s4], $0x80, v4, vm0, $0xb8;
	[tilespmem:$0x12300] =	vst v63  }
0x1cf: {  	s29 =	simm.s32 $0xAB00  }
0x1d0: {  	[tilespmem:s29], [sflag:$0x2] =	stream.indirect_vreg.gather [hbm4b:s1+s4], $0x80, v3, vm0, $0xb8;
	[tilespmem:$0x12300] =	vst v63  }
0x1d1: {  	v3 =	vld [tilespmem:s22+$0x20];
	_ =	sdelay $0x4  }
0x1d2: {  	v58 =	vshll.u32 v3, $0x1  }
0x1d3: {  	v3 =	vand.u32 $0x7, v3;
	v4 =	vand.u32 $0xFFFFFFF0, v58  }
0x1d4: {  	v3 =	vor.u32 v3, v4  }
0x1d5: {  	v4 =	vperm.xlane v3, v0;
	_ =	sdelay $0x1  }
0x1d6: {  	v3 =	vperm.xlane v3, v2;
	v4 =	vadd.s32 v1, v4;
	_ =	sdelay $0x1  }
0x1d7: {  	v3 =	vadd.s32 v1, v3;
	_ =	sdelay $0x1  }
0x1d8: {  	s30 =	simm.s32 $0xB300  }
0x1d9: {  	[tilespmem:s30], [sflag:$0x2] =	stream.indirect_vreg.gather [hbm4b:s1+s4], $0x80, v4, vm0, $0xb8;
	[tilespmem:$0x12300] =	vst v63  }
0x1da: {  	s31 =	simm.s32 $0xBB00  }
0x1db: {  	[tilespmem:s31], [sflag:$0x2] =	stream.indirect_vreg.gather [hbm4b:s1+s4], $0x80, v3, vm0, $0xb8;
	[tilespmem:$0x12300] =	vst v63  }
0x1dc: {  	v3 =	vld [tilespmem:s22+$0x30];
	_ =	sdelay $0x4  }
0x1dd: {  	v59 =	vshll.u32 v3, $0x1  }
0x1de: {  	v3 =	vand.u32 $0x7, v3;
	v4 =	vand.u32 $0xFFFFFFF0, v59  }
0x1df: {  	v3 =	vor.u32 v3, v4  }
0x1e0: {  	v4 =	vperm.xlane v3, v0;
	_ =	sdelay $0x1  }
0x1e1: {  	v3 =	vperm.xlane v3, v2;
	v4 =	vadd.s32 v1, v4;
	_ =	sdelay $0x1  }
0x1e2: {  	v3 =	vadd.s32 v1, v3;
	_ =	sdelay $0x2  }
0x1e3: {  	[tilespmem:s7], [sflag:$0x2] =	stream.indirect_vreg.gather [hbm4b:s1+s4], $0x80, v4, vm0, $0xb8;
	[tilespmem:$0x12300] =	vst v63  }
0x1e4: {  	_ = 	snop  }
0x1e5: {  	[tilespmem:s8], [sflag:$0x2] =	stream.indirect_vreg.gather [hbm4b:s1+s4], $0x80, v3, vm0, $0xb8;
	[tilespmem:$0x12300] =	vst v63  }
0x1e6: {  	v3 =	vld [tilespmem:s22+$0x40];
	_ =	sdelay $0x4  }
0x1e7: {  	v60 =	vshll.u32 v3, $0x1  }
0x1e8: {  	v3 =	vand.u32 $0x7, v3;
	v4 =	vand.u32 $0xFFFFFFF0, v60  }
0x1e9: {  	v3 =	vor.u32 v3, v4  }
0x1ea: {  	v4 =	vperm.xlane v3, v0;
	_ =	sdelay $0x1  }
0x1eb: {  	v3 =	vperm.xlane v3, v2;
	v4 =	vadd.s32 v1, v4;
	_ =	sdelay $0x1  }
0x1ec: {  	v3 =	vadd.s32 v1, v3;
	_ =	sdelay $0x2  }
0x1ed: {  	[tilespmem:s10], [sflag:$0x2] =	stream.indirect_vreg.gather [hbm4b:s1+s4], $0x80, v4, vm0, $0xb8;
	[tilespmem:$0x12300] =	vst v63  }
0x1ee: {  	_ = 	snop  }
0x1ef: {  	[tilespmem:s11], [sflag:$0x2] =	stream.indirect_vreg.gather [hbm4b:s1+s4], $0x80, v3, vm0, $0xb8;
	[tilespmem:$0x12300] =	vst v63  }
0x1f0: {  	v3 =	vld [tilespmem:s22+$0x50];
	_ =	sdelay $0x4  }
0x1f1: {  	v61 =	vshll.u32 v3, $0x1  }
0x1f2: {  	v3 =	vand.u32 $0x7, v3;
	v4 =	vand.u32 $0xFFFFFFF0, v61  }
0x1f3: {  	v3 =	vor.u32 v3, v4  }
0x1f4: {  	v4 =	vperm.xlane v3, v0;
	_ =	sdelay $0x1  }
0x1f5: {  	v3 =	vperm.xlane v3, v2;
	v4 =	vadd.s32 v1, v4;
	_ =	sdelay $0x1  }
0x1f6: {  	v3 =	vadd.s32 v1, v3;
	_ =	sdelay $0x2  }
0x1f7: {  	[tilespmem:s12], [sflag:$0x2] =	stream.indirect_vreg.gather [hbm4b:s1+s4], $0x80, v4, vm0, $0xb8;
	[tilespmem:$0x12300] =	vst v63  }
0x1f8: {  	_ = 	snop  }
0x1f9: {  	[tilespmem:s13], [sflag:$0x2] =	stream.indirect_vreg.gather [hbm4b:s1+s4], $0x80, v3, vm0, $0xb8;
	[tilespmem:$0x12300] =	vst v63  }
0x1fa: {  	v3 =	vld [tilespmem:s22+$0x60];
	_ =	sdelay $0x4  }
0x1fb: {  	v62 =	vshll.u32 v3, $0x1  }
0x1fc: {  	v3 =	vand.u32 $0x7, v3;
	v4 =	vand.u32 $0xFFFFFFF0, v62  }
0x1fd: {  	v3 =	vor.u32 v3, v4  }
0x1fe: {  	v4 =	vperm.xlane v3, v0;
	_ =	sdelay $0x1  }
0x1ff: {  	v3 =	vperm.xlane v3, v2;
	v4 =	vadd.s32 v1, v4;
	_ =	sdelay $0x1  }
0x200: {  	v3 =	vadd.s32 v1, v3;
	_ =	sdelay $0x2  }
0x201: {  	[tilespmem:s14], [sflag:$0x2] =	stream.indirect_vreg.gather [hbm4b:s1+s4], $0x80, v4, vm0, $0xb8;
	[tilespmem:$0x12300] =	vst v63  }
0x202: {  	_ = 	snop  }
0x203: {  	[tilespmem:s15], [sflag:$0x2] =	stream.indirect_vreg.gather [hbm4b:s1+s4], $0x80, v3, vm0, $0xb8;
	[tilespmem:$0x12300] =	vst v63  }
0x204: {  	v3 =	vld [tilespmem:s22+$0x70];
	_ =	sdelay $0x4  }
0x205: {  	v63 =	vshll.u32 v3, $0x1  }
0x206: {  	v3 =	vand.u32 $0x7, v3;
	v4 =	vand.u32 $0xFFFFFFF0, v63  }
0x207: {  	v3 =	vor.u32 v3, v4  }
0x208: {  	v4 =	vperm.xlane v3, v0;
	_ =	sdelay $0x1  }
0x209: {  	v3 =	vperm.xlane v3, v2;
	v4 =	vadd.s32 v1, v4;
	_ =	sdelay $0x1  }
0x20a: {  	v3 =	vadd.s32 v1, v3  }
.Ltmp8:
0x20b: {  	_ = 	snop;
	(pc) =	sbr.rel .LBB2_10-.Ltmp8, $4  }
0x20c: {  	_ = 	snop  }
0x20d: {  	[tilespmem:s16], [sflag:$0x2] =	stream.indirect_vreg.gather [hbm4b:s1+s4], $0x80, v4, vm0, $0xb8;
	[tilespmem:$0x12300] =	vst v63  }
0x20e: {  	_ = 	snop  }
0x20f: {  	[tilespmem:s17], [sflag:$0x2] =	stream.indirect_vreg.gather [hbm4b:s1+s4], $0x80, v3, vm0, $0xb8;
	[tilespmem:$0x12300] =	vst v63  }
.LBB2_12:
0x210: {  	_ =	sfence.sel $0x180000  }
0x211: {  	[bflag:$0x0] =	sbarrier.arrive $0xFFFF  }
0x212: {  	_ =	strace $0x90000047  }
0x213: {  	s0 =	stileid.u32;
	[bflag:$0x2] =	sbarrier.arrive $0xFFFF  }
0x214: {  	p0 =	sne.s32 s0, $0x0;
	s0 =	rddreg [dreg:$0x3]  }
0x215: {  	s0 =	sadd.s32 @!p0 $0x100000, s0  }
0x216: {  	[sflag:s0] =	ssyncadd.tile.s32 @!p0 $0x1;
	_ =	shalt  }
.Lfunc_end2:
_tile_overlayer_lowered:
.L_overlay_start_2:
0x217: {  	(tag) =	ssettag $0x2  }
0x218: {  	s0 =	rddreg [dreg:$0x0];
	s2 =	stileid.u32  }
0x219: {  	s1 =	rddreg [dreg:$0x1];
	p0 =	sne.s32 s2, $0x0  }
0x21a: {  	s3 =	rddreg [dreg:$0x2];
	[bflag:$0x3] =	sbarrier.arrive $0xFFFF;
	s2 =	simm.s32 @!p0 $0x1C04  }
0x21b: {  	[timem:s3], [sflag:s2] =	dma.local @!p0 [hbm:s0], s1  }
0x21c: {  	s0 =	simm.s32 @!p0 $0x4  }
0x21d: {  	_ =	swait.ge @!p0 [sflag:s0], s1  }
0x21e: {  	s1 =	ssub.s32 @!p0 $0x0, s1;
	[sflag:s0] =	ssyncset.done @!p0 $0x0  }
0x21f: {  	[sflag:s0] =	ssyncadd.s32 @!p0 s1  }
0x220: {  	[bflag:$0x3] =	sbarrier.arrive $0xFFFF  }
0x221: {  	_ =	shalt  }

</sc_bundles>
